<compile_context>
chip_gen: v7x
topology: tpu7x:2x2x1
jax: 0.10.2.dev20260603
libtpu: 0.0.44.dev20260713+nightly
codegen_flags: <defaults>
</compile_context>

<pallas_src>
import functools

import jax
import jax.numpy as jnp
from jax import lax
from jax.experimental import pallas as pl
from jax.experimental.pallas import tpu as pltpu
from jax.experimental.pallas import tpu_sc as plsc

N = 10000
E = 160000
D = 256
H = 128
N_PAD = 10240
E_PAD = 163840
CHD = 128
CH = 128
NT = 16
RPT = N_PAD // NT
DUMMY_DST = N
NCH_W = E_PAD // 32 // CHD
NCH_T = E_PAD // NT // CH
IRING = 4
GRING = 2
DEG_GRP = 8

_mesh = plsc.VectorSubcoreMesh(core_axis_name="c", subcore_axis_name="s")


@functools.partial(
    pl.kernel,
    mesh=_mesh,
    out_type=jax.ShapeDtypeStruct((2, N_PAD), jnp.float32),
    scratch_types=[
        pltpu.VMEM((NCH_W, CHD), jnp.int32),
        pltpu.VMEM((CHD,), jnp.float32),
        pltpu.VMEM_SHARED((N_PAD,), jnp.float32),
        pltpu.SemaphoreType.DMA,
    ],
)
def _deg_kernel(dst2_hbm, zvec_hbm, degp_hbm, didx_v, ones_v, acc_s, sem):
    c = lax.axis_index("c")
    s = lax.axis_index("s")
    wid = s * 2 + c
    for j in range(CHD // 16):
        ones_v[pl.ds(j * 16, 16)] = jnp.ones((16,), jnp.float32)
    pltpu.sync_copy(dst2_hbm.at[pl.ds(wid * NCH_W, NCH_W)], didx_v)
    pltpu.sync_copy(zvec_hbm.at[pl.ds(s * RPT, RPT)],
                    acc_s.at[pl.ds(s * RPT, RPT)])
    plsc.subcore_barrier()

    def group(g, carry):
        for k in range(DEG_GRP):
            pltpu.async_copy(ones_v, acc_s.at[didx_v.at[g * DEG_GRP + k]],
                             sem, add=True)
        for k in range(DEG_GRP):
            pltpu.make_async_copy(
                ones_v, acc_s.at[didx_v.at[g * DEG_GRP + k]], sem).wait()
        return carry

    lax.fori_loop(0, NCH_W // DEG_GRP, group, 0)
    plsc.subcore_barrier()

    @pl.when(c == 0)
    def _():
        pltpu.sync_copy(acc_s.at[pl.ds(s * RPT, RPT)],
                        degp_hbm.at[0, pl.ds(s * RPT, RPT)])

    @pl.when(c == 1)
    def _():
        pltpu.sync_copy(acc_s.at[pl.ds(s * RPT, RPT)],
                        degp_hbm.at[1, pl.ds(s * RPT, RPT)])


@functools.partial(
    pl.kernel,
    mesh=_mesh,
    out_type=(
        jax.ShapeDtypeStruct((N_PAD, H), jnp.float32),
        jax.ShapeDtypeStruct((N_PAD, H), jnp.float32),
    ),
    scratch_types=(
        [pltpu.VMEM((CH,), jnp.int32)] * IRING
        + [pltpu.VMEM((CH,), jnp.int32)] * IRING
        + [pltpu.VMEM((CH, H), jnp.float32)] * GRING
        + [pltpu.VMEM_SHARED((N_PAD, H), jnp.float32)]
        + [pltpu.SemaphoreType.DMA] * IRING
        + [pltpu.SemaphoreType.DMA] * GRING
    ),
)
def _scatter_kernel(hlo_hbm, hhi_hbm, src2_hbm, dst2_hbm, zmat_hbm,
                    alo_hbm, ahi_hbm, *rest):
    sidx = rest[:IRING]
    didx = rest[IRING:2 * IRING]
    rows = rest[2 * IRING:2 * IRING + GRING]
    acc_s = rest[2 * IRING + GRING]
    isems = rest[2 * IRING + GRING + 1:2 * IRING + GRING + 1 + IRING]
    gsems = rest[2 * IRING + GRING + 1 + IRING:]
    c = lax.axis_index("c")
    s = lax.axis_index("s")

    def fire_idx(i, q):
        pltpu.async_copy(src2_hbm.at[s * NCH_T + i], sidx[q], isems[q])
        pltpu.async_copy(dst2_hbm.at[s * NCH_T + i], didx[q], isems[q])

    def wait_idx(i, q):
        pltpu.make_async_copy(src2_hbm.at[s * NCH_T + i], sidx[q],
                              isems[q]).wait()
        pltpu.make_async_copy(dst2_hbm.at[s * NCH_T + i], didx[q],
                              isems[q]).wait()

    def fire_gather(q, r):
        @pl.when(c == 0)
        def _():
            pltpu.async_copy(hlo_hbm.at[sidx[q]], rows[r], gsems[r])

        @pl.when(c == 1)
        def _():
            pltpu.async_copy(hhi_hbm.at[sidx[q]], rows[r], gsems[r])

    for q in range(IRING):
        fire_idx(q, q)
    for r in range(GRING):
        wait_idx(r, r)
        fire_gather(r, r)
    pltpu.sync_copy(zmat_hbm.at[pl.ds(s * RPT, RPT)],
                    acc_s.at[pl.ds(s * RPT, RPT)])
    plsc.subcore_barrier()

    def group(g, carry):
        for r in range(IRING):
            i = g * IRING + r
            q = r
            rr = r % GRING
            pltpu.make_async_copy(hlo_hbm.at[sidx[q]], rows[rr],
                                  gsems[rr]).wait()
            pltpu.sync_copy(rows[rr], acc_s.at[didx[q]], add=True)

            @pl.when(i + IRING < NCH_T)
            def _():
                fire_idx(i + IRING, q)

            @pl.when(i + GRING < NCH_T)
            def _():
                wait_idx(i + GRING, (r + GRING) % IRING)
                fire_gather((r + GRING) % IRING, rr)
        return carry

    lax.fori_loop(0, NCH_T // IRING, group, 0)
    plsc.subcore_barrier()

    @pl.when(c == 0)
    def _():
        pltpu.sync_copy(acc_s.at[pl.ds(s * RPT, RPT)],
                        alo_hbm.at[pl.ds(s * RPT, RPT)])

    @pl.when(c == 1)
    def _():
        pltpu.sync_copy(acc_s.at[pl.ds(s * RPT, RPT)],
                        ahi_hbm.at[pl.ds(s * RPT, RPT)])


BLK = 1024


def _prep_body(x_ref, w_ref, dp_ref, hlo_ref, hhi_ref):
    y = jnp.dot(x_ref[...], w_ref[...],
                preferred_element_type=jnp.float32)
    deg = jnp.maximum(dp_ref[0, :] + dp_ref[1, :], 1.0)
    norm = lax.rsqrt(deg)
    h = y * norm[:, None]
    hlo_ref[...] = h[:, :H]
    hhi_ref[...] = h[:, H:]


def _final_body(alo_ref, ahi_ref, dp_ref, b_ref, out_ref):
    agg = jnp.concatenate([alo_ref[...], ahi_ref[...]], axis=1)
    deg = jnp.maximum(dp_ref[0, :] + dp_ref[1, :], 1.0)
    norm = lax.rsqrt(deg)
    out_ref[...] = agg * norm[:, None] + b_ref[0, :][None, :]


_prep_call = pl.pallas_call(
    _prep_body,
    grid=(N_PAD // BLK,),
    in_specs=[
        pl.BlockSpec((BLK, D), lambda i: (i, 0)),
        pl.BlockSpec((D, D), lambda i: (0, 0)),
        pl.BlockSpec((2, BLK), lambda i: (0, i)),
    ],
    out_specs=[
        pl.BlockSpec((BLK, H), lambda i: (i, 0)),
        pl.BlockSpec((BLK, H), lambda i: (i, 0)),
    ],
    out_shape=[
        jax.ShapeDtypeStruct((N, H), jnp.float32),
        jax.ShapeDtypeStruct((N, H), jnp.float32),
    ],
)

_final_call = pl.pallas_call(
    _final_body,
    grid=(N_PAD // BLK,),
    in_specs=[
        pl.BlockSpec((BLK, H), lambda i: (i, 0)),
        pl.BlockSpec((BLK, H), lambda i: (i, 0)),
        pl.BlockSpec((2, BLK), lambda i: (0, i)),
        pl.BlockSpec((1, D), lambda i: (0, 0)),
    ],
    out_specs=pl.BlockSpec((BLK, D), lambda i: (i, 0)),
    out_shape=jax.ShapeDtypeStruct((N, D), jnp.float32),
)


def kernel(x, edge_index, W, b):
    src = edge_index[0]
    dst = edge_index[1]
    pad = E_PAD - E
    srcp = jnp.concatenate([src, jnp.zeros((pad,), jnp.int32)])
    dstp = jnp.concatenate([dst, jnp.full((pad,), DUMMY_DST, jnp.int32)])
    src2 = jnp.reshape(srcp, (E_PAD // CH, CH))
    dst2 = jnp.reshape(dstp, (E_PAD // CH, CH))
    dst2d = jnp.reshape(dstp, (E_PAD // CHD, CHD))
    zvec = jnp.zeros((N_PAD,), jnp.float32)
    zmat = jnp.zeros((N_PAD, H), jnp.float32)

    degp = _deg_kernel(dst2d, zvec)
    hlo, hhi = _prep_call(x, W, degp)
    alo, ahi = _scatter_kernel(hlo, hhi, src2, dst2, zmat)
    out = _final_call(alo, ahi, degp, jnp.reshape(b, (1, D)))
    return out

# --- scband reference (transcript-rebuilt; emitter-appended) ---
"""Pipeline reference for scband-sgc-17016660426791 (READ-ONLY COPY).

The authoritative reference and input builder live on the scoring server;
editing this copy changes nothing except your own understanding.
"""

import jax, jax.numpy as jnp
import numpy as np

N_NODES = 10000
N_EDGES = 160000
D_IN = 256
D_OUT = 256


def setup_inputs(seed: int = 0) -> dict:
    key = jax.random.key(seed)
    k1, k2, k3, k4 = jax.random.split(key, 4)
    x = jax.random.normal(k1, (N_NODES, D_IN), dtype=jnp.float32)
    edge_index = jax.random.randint(k2, (2, N_EDGES), 0, N_NODES, dtype=jnp.int32)
    # Learned params of the SGConv linear layer (in_feats -> n_classes) with bias
    W = jax.random.normal(k3, (D_IN, D_OUT), dtype=jnp.float32) * 0.05
    b = jax.random.normal(k4, (D_OUT,), dtype=jnp.float32) * 0.01
    return {"x": x, "edge_index": edge_index, "W": W, "b": b}


def reference(x, edge_index, W, b):
    # DGL SGConv with k=1, norm='both', bias=True:
    #   h = D^{-1/2} A D^{-1/2} x, then linear(h) = h @ W + b
    # DGL uses in-degrees (dst) for both normalization factors, clamped to >= 1.
    src = edge_index[0]
    dst = edge_index[1]
    n = x.shape[0]
    ones = jnp.ones((src.shape[0],), dtype=x.dtype)
    deg = jax.ops.segment_sum(ones, dst, num_segments=n)
    deg = jnp.clip(deg, 1.0)
    norm = deg ** -0.5
    # pre-normalize source features
    h = x * norm[:, None]
    # gather over src nodes, scatter-add into dst nodes
    msg = jnp.take(h, src, axis=0)
    agg = jax.ops.segment_sum(msg, dst, num_segments=n)
    # post-normalize by dst degree
    agg = agg * norm[:, None]
    # linear projection
    out = agg @ W + b
    return out

if __name__ == "__main__":
    import jax
    _d = setup_inputs()
    print(jax.jit(kernel)(*tuple(_d.values())))

</pallas_src>

<mosaic_0001>
#map = affine_map<(d0, d1) -> (0, 0)>
#map1 = affine_map<(d0, d1) -> (0)>
module attributes {stable_mosaic.version = 14 : i64} {
  func.func @_deg_kernel(%arg0: i32, %arg1: i32, %arg2: memref<1280x128xi32, #tpu.memory_space<hbm>>, %arg3: memref<10240xf32, #tpu.memory_space<hbm>>, %arg4: memref<2x10240xf32, #tpu.memory_space<hbm>>, %arg5: memref<40x128xi32, #tpu.memory_space<vmem>>, %arg6: memref<128xf32, #tpu.memory_space<vmem>>, %arg7: memref<10240xf32, #tpu.memory_space<vmem_shared>>, %arg8: memref<!tpu.dma_semaphore, #tpu.memory_space<semaphore_mem>>) attributes {dimension_semantics = [#tpu.dimension_semantics<core_parallel>, #tpu.dimension_semantics<subcore_parallel>], iteration_bounds = array<i64: 2, 16>, scalar_prefetch = 0 : i64, scratch_operands = 4 : i64, tpu.core_type = #tpu.core_type<sc_vector_subcore>, window_params = [{transform_indices = #map}, {transform_indices = #map1}, {transform_indices = #map}]} {
    %mul3A = arith.constant 2 : i32
    %mul3A_0 = arith.muli %arg1, %mul3A : i32
    %add3A = arith.addi %mul3A_0, %arg0 : i32
    %broadcast_in_dim3A = arith.constant 1.000000e+00 : f32
    %broadcast_in_dim3A_1 = vector.broadcast %broadcast_in_dim3A : f32 to vector<16xf32>
    %swap3A = arith.constant 0 : index
    %swap3A_2 = tpu.vector_load %arg6[%swap3A] {strides = array<i32>} : memref<128xf32, #tpu.memory_space<vmem>>, vector<16xf32>,
    %swap3A_3 = vector.shape_cast %swap3A_2 : vector<16xf32> to vector<16xf32>
    %swap3A_4 = vector.shape_cast %broadcast_in_dim3A_1 : vector<16xf32> to vector<16xf32>
    tpu.vector_store %arg6[%swap3A], %swap3A_4 {strides = array<i32>} : memref<128xf32, #tpu.memory_space<vmem>>, vector<16xf32>,
    %broadcast_in_dim3A_5 = arith.constant 1.000000e+00 : f32
    %broadcast_in_dim3A_6 = vector.broadcast %broadcast_in_dim3A_5 : f32 to vector<16xf32>
    %swap3A_7 = arith.constant 16 : index
    %swap3A_8 = tpu.vector_load %arg6[%swap3A_7] {strides = array<i32>} : memref<128xf32, #tpu.memory_space<vmem>>, vector<16xf32>,
    %swap3A_9 = vector.shape_cast %swap3A_8 : vector<16xf32> to vector<16xf32>
    %swap3A_10 = vector.shape_cast %broadcast_in_dim3A_6 : vector<16xf32> to vector<16xf32>
    tpu.vector_store %arg6[%swap3A_7], %swap3A_10 {strides = array<i32>} : memref<128xf32, #tpu.memory_space<vmem>>, vector<16xf32>,
    %broadcast_in_dim3A_11 = arith.constant 1.000000e+00 : f32
    %broadcast_in_dim3A_12 = vector.broadcast %broadcast_in_dim3A_11 : f32 to vector<16xf32>
    %swap3A_13 = arith.constant 32 : index
    %swap3A_14 = tpu.vector_load %arg6[%swap3A_13] {strides = array<i32>} : memref<128xf32, #tpu.memory_space<vmem>>, vector<16xf32>,
    %swap3A_15 = vector.shape_cast %swap3A_14 : vector<16xf32> to vector<16xf32>
    %swap3A_16 = vector.shape_cast %broadcast_in_dim3A_12 : vector<16xf32> to vector<16xf32>
    tpu.vector_store %arg6[%swap3A_13], %swap3A_16 {strides = array<i32>} : memref<128xf32, #tpu.memory_space<vmem>>, vector<16xf32>,
    %broadcast_in_dim3A_17 = arith.constant 1.000000e+00 : f32
    %broadcast_in_dim3A_18 = vector.broadcast %broadcast_in_dim3A_17 : f32 to vector<16xf32>
    %swap3A_19 = arith.constant 48 : index
    %swap3A_20 = tpu.vector_load %arg6[%swap3A_19] {strides = array<i32>} : memref<128xf32, #tpu.memory_space<vmem>>, vector<16xf32>,
    %swap3A_21 = vector.shape_cast %swap3A_20 : vector<16xf32> to vector<16xf32>
    %swap3A_22 = vector.shape_cast %broadcast_in_dim3A_18 : vector<16xf32> to vector<16xf32>
    tpu.vector_store %arg6[%swap3A_19], %swap3A_22 {strides = array<i32>} : memref<128xf32, #tpu.memory_space<vmem>>, vector<16xf32>,
    %broadcast_in_dim3A_23 = arith.constant 1.000000e+00 : f32
    %broadcast_in_dim3A_24 = vector.broadcast %broadcast_in_dim3A_23 : f32 to vector<16xf32>
    %swap3A_25 = arith.constant 64 : index
    %swap3A_26 = tpu.vector_load %arg6[%swap3A_25] {strides = array<i32>} : memref<128xf32, #tpu.memory_space<vmem>>, vector<16xf32>,
    %swap3A_27 = vector.shape_cast %swap3A_26 : vector<16xf32> to vector<16xf32>
    %swap3A_28 = vector.shape_cast %broadcast_in_dim3A_24 : vector<16xf32> to vector<16xf32>
    tpu.vector_store %arg6[%swap3A_25], %swap3A_28 {strides = array<i32>} : memref<128xf32, #tpu.memory_space<vmem>>, vector<16xf32>,
    %broadcast_in_dim3A_29 = arith.constant 1.000000e+00 : f32
    %broadcast_in_dim3A_30 = vector.broadcast %broadcast_in_dim3A_29 : f32 to vector<16xf32>
    %swap3A_31 = arith.constant 80 : index
    %swap3A_32 = tpu.vector_load %arg6[%swap3A_31] {strides = array<i32>} : memref<128xf32, #tpu.memory_space<vmem>>, vector<16xf32>,
    %swap3A_33 = vector.shape_cast %swap3A_32 : vector<16xf32> to vector<16xf32>
    %swap3A_34 = vector.shape_cast %broadcast_in_dim3A_30 : vector<16xf32> to vector<16xf32>
    tpu.vector_store %arg6[%swap3A_31], %swap3A_34 {strides = array<i32>} : memref<128xf32, #tpu.memory_space<vmem>>, vector<16xf32>,
    %broadcast_in_dim3A_35 = arith.constant 1.000000e+00 : f32
    %broadcast_in_dim3A_36 = vector.broadcast %broadcast_in_dim3A_35 : f32 to vector<16xf32>
    %swap3A_37 = arith.constant 96 : index
    %swap3A_38 = tpu.vector_load %arg6[%swap3A_37] {strides = array<i32>} : memref<128xf32, #tpu.memory_space<vmem>>, vector<16xf32>,
    %swap3A_39 = vector.shape_cast %swap3A_38 : vector<16xf32> to vector<16xf32>
    %swap3A_40 = vector.shape_cast %broadcast_in_dim3A_36 : vector<16xf32> to vector<16xf32>
    tpu.vector_store %arg6[%swap3A_37], %swap3A_40 {strides = array<i32>} : memref<128xf32, #tpu.memory_space<vmem>>, vector<16xf32>,
    %broadcast_in_dim3A_41 = arith.constant 1.000000e+00 : f32
    %broadcast_in_dim3A_42 = vector.broadcast %broadcast_in_dim3A_41 : f32 to vector<16xf32>
    %swap3A_43 = arith.constant 112 : index
    %swap3A_44 = tpu.vector_load %arg6[%swap3A_43] {strides = array<i32>} : memref<128xf32, #tpu.memory_space<vmem>>, vector<16xf32>,
    %swap3A_45 = vector.shape_cast %swap3A_44 : vector<16xf32> to vector<16xf32>
    %swap3A_46 = vector.shape_cast %broadcast_in_dim3A_42 : vector<16xf32> to vector<16xf32>
    tpu.vector_store %arg6[%swap3A_43], %swap3A_46 {strides = array<i32>} : memref<128xf32, #tpu.memory_space<vmem>>, vector<16xf32>,
    %mul3A_47 = arith.constant 40 : i32
    %mul3A_48 = arith.muli %add3A, %mul3A_47 : i32
    "tpu.region"() ({
      %run_scoped3A = tpu.sem_alloc : memref<!tpu.dma_semaphore, #tpu.memory_space<semaphore_mem>>
      %dma_start3A = arith.constant 0 : i32
      %dma_start3A_66 = tpu.memref_slice %arg2[%mul3A_48, %dma_start3A] : memref<1280x128xi32, #tpu.memory_space<hbm>> -> memref<40x128xi32, #tpu.memory_space<hbm>>
      %dma_start3A_67 = arith.constant 0 : i32
      %dma_start3A_68 = tpu.memref_slice %arg2[%mul3A_48, %dma_start3A_67] : memref<1280x128xi32, #tpu.memory_space<hbm>> -> memref<40x128xi32, #tpu.memory_space<hbm>>
      tpu.enqueue_dma source(%dma_start3A_68 : memref<40x128xi32, #tpu.memory_space<hbm>>) target(%arg5 : memref<40x128xi32, #tpu.memory_space<vmem>>) target_semaphore(%run_scoped3A : memref<!tpu.dma_semaphore, #tpu.memory_space<semaphore_mem>>)
      %dma_wait3A = arith.constant 0 : i32
      %dma_wait3A_69 = tpu.memref_slice %arg2[%mul3A_48, %dma_wait3A] : memref<1280x128xi32, #tpu.memory_space<hbm>> -> memref<40x128xi32, #tpu.memory_space<hbm>>
      %dma_wait3A_70 = arith.constant 0 : i32
      %dma_wait3A_71 = tpu.memref_slice %arg2[%mul3A_48, %dma_wait3A_70] : memref<1280x128xi32, #tpu.memory_space<hbm>> -> memref<40x128xi32, #tpu.memory_space<hbm>>
      tpu.wait_dma2 semaphore(%run_scoped3A : memref<!tpu.dma_semaphore, #tpu.memory_space<semaphore_mem>>) src(%dma_wait3A_71 : memref<40x128xi32, #tpu.memory_space<hbm>>) dst(%arg5 : memref<40x128xi32, #tpu.memory_space<vmem>>)
      tpu.yield
    }) : () -> ()
    %mul3A_49 = arith.constant 640 : i32
    %mul3A_50 = arith.muli %arg1, %mul3A_49 : i32
    %mul3A_51 = arith.constant 640 : i32
    %mul3A_52 = arith.muli %arg1, %mul3A_51 : i32
    "tpu.region"() ({
      %run_scoped3A = tpu.sem_alloc : memref<!tpu.dma_semaphore, #tpu.memory_space<semaphore_mem>>
      %dma_start3A = tpu.memref_slice %arg7[%mul3A_52] : memref<10240xf32, #tpu.memory_space<vmem_shared>> -> memref<640xf32, #tpu.memory_space<vmem_shared>>
      %dma_start3A_66 = tpu.memref_slice %arg3[%mul3A_50] : memref<10240xf32, #tpu.memory_space<hbm>> -> memref<640xf32, #tpu.memory_space<hbm>>
      tpu.enqueue_dma source(%dma_start3A_66 : memref<640xf32, #tpu.memory_space<hbm>>) target(%dma_start3A : memref<640xf32, #tpu.memory_space<vmem_shared>>) target_semaphore(%run_scoped3A : memref<!tpu.dma_semaphore, #tpu.memory_space<semaphore_mem>>)
      %dma_wait3A = tpu.memref_slice %arg7[%mul3A_52] : memref<10240xf32, #tpu.memory_space<vmem_shared>> -> memref<640xf32, #tpu.memory_space<vmem_shared>>
      %dma_wait3A_67 = tpu.memref_slice %arg3[%mul3A_50] : memref<10240xf32, #tpu.memory_space<hbm>> -> memref<640xf32, #tpu.memory_space<hbm>>
      tpu.wait_dma2 semaphore(%run_scoped3A : memref<!tpu.dma_semaphore, #tpu.memory_space<semaphore_mem>>) src(%dma_wait3A_67 : memref<640xf32, #tpu.memory_space<hbm>>) dst(%dma_wait3A : memref<640xf32, #tpu.memory_space<vmem_shared>>)
      tpu.yield
    }) : () -> ()
    %barrier3A = arith.constant 0 : index
    tpu.barrier barrier_id(%barrier3A)
    %scan3A = arith.constant 0 : i32
    %scan3A_53 = arith.constant 0 : i32
    %scan3A_54 = arith.constant 5 : i32
    %scan3A_55 = arith.addi %scan3A_53, %scan3A_54 : i32
    %scan3A_56 = arith.constant 1 : i32
    scf.for %scan3A_66 = %scan3A_53 to %scan3A_55 step %scan3A_56  : i32 {
      %mul3A_67 = arith.constant 8 : i32
      %mul3A_68 = arith.muli %scan3A_66, %mul3A_67 : i32
      %add3A_69 = arith.constant 0 : i32
      %add3A_70 = arith.addi %mul3A_68, %add3A_69 : i32
      %dma_start3A = arith.constant 0 : i32
      %dma_start3A_71 = tpu.memref_slice %arg5[%add3A_70, %dma_start3A] : memref<40x128xi32, #tpu.memory_space<vmem>> -> memref<1x128xi32, #tpu.memory_space<vmem>>
      %dma_start3A_72 = tpu.memref_squeeze %dma_start3A_71 : memref<1x128xi32, #tpu.memory_space<vmem>> -> memref<128xi32, #tpu.memory_space<vmem>>
      %dma_start3A_73 = arith.constant 0 : i32
      %dma_start3A_74 = tpu.memref_slice %arg7[%dma_start3A_73] : memref<10240xf32, #tpu.memory_space<vmem_shared>> -> memref<10240xf32, #tpu.memory_space<vmem_shared>>
      tpu.enqueue_indirect_dma source(%arg6 : memref<128xf32, #tpu.memory_space<vmem>>) target(%dma_start3A_74 : memref<10240xf32, #tpu.memory_space<vmem_shared>>) offsets(%dma_start3A_72 : memref<128xi32, #tpu.memory_space<vmem>>) semaphore(%arg8 : memref<!tpu.dma_semaphore, #tpu.memory_space<semaphore_mem>>) {add = true}
      %mul3A_75 = arith.constant 8 : i32
      %mul3A_76 = arith.muli %scan3A_66, %mul3A_75 : i32
      %add3A_77 = arith.constant 1 : i32
      %add3A_78 = arith.addi %mul3A_76, %add3A_77 : i32
      %dma_start3A_79 = arith.constant 0 : i32
      %dma_start3A_80 = tpu.memref_slice %arg5[%add3A_78, %dma_start3A_79] : memref<40x128xi32, #tpu.memory_space<vmem>> -> memref<1x128xi32, #tpu.memory_space<vmem>>
      %dma_start3A_81 = tpu.memref_squeeze %dma_start3A_80 : memref<1x128xi32, #tpu.memory_space<vmem>> -> memref<128xi32, #tpu.memory_space<vmem>>
      %dma_start3A_82 = arith.constant 0 : i32
      %dma_start3A_83 = tpu.memref_slice %arg7[%dma_start3A_82] : memref<10240xf32, #tpu.memory_space<vmem_shared>> -> memref<10240xf32, #tpu.memory_space<vmem_shared>>
      tpu.enqueue_indirect_dma source(%arg6 : memref<128xf32, #tpu.memory_space<vmem>>) target(%dma_start3A_83 : memref<10240xf32, #tpu.memory_space<vmem_shared>>) offsets(%dma_start3A_81 : memref<128xi32, #tpu.memory_space<vmem>>) semaphore(%arg8 : memref<!tpu.dma_semaphore, #tpu.memory_space<semaphore_mem>>) {add = true}
      %mul3A_84 = arith.constant 8 : i32
      %mul3A_85 = arith.muli %scan3A_66, %mul3A_84 : i32
      %add3A_86 = arith.constant 2 : i32
      %add3A_87 = arith.addi %mul3A_85, %add3A_86 : i32
      %dma_start3A_88 = arith.constant 0 : i32
      %dma_start3A_89 = tpu.memref_slice %arg5[%add3A_87, %dma_start3A_88] : memref<40x128xi32, #tpu.memory_space<vmem>> -> memref<1x128xi32, #tpu.memory_space<vmem>>
      %dma_start3A_90 = tpu.memref_squeeze %dma_start3A_89 : memref<1x128xi32, #tpu.memory_space<vmem>> -> memref<128xi32, #tpu.memory_space<vmem>>
      %dma_start3A_91 = arith.constant 0 : i32
      %dma_start3A_92 = tpu.memref_slice %arg7[%dma_start3A_91] : memref<10240xf32, #tpu.memory_space<vmem_shared>> -> memref<10240xf32, #tpu.memory_space<vmem_shared>>
      tpu.enqueue_indirect_dma source(%arg6 : memref<128xf32, #tpu.memory_space<vmem>>) target(%dma_start3A_92 : memref<10240xf32, #tpu.memory_space<vmem_shared>>) offsets(%dma_start3A_90 : memref<128xi32, #tpu.memory_space<vmem>>) semaphore(%arg8 : memref<!tpu.dma_semaphore, #tpu.memory_space<semaphore_mem>>) {add = true}
      %mul3A_93 = arith.constant 8 : i32
      %mul3A_94 = arith.muli %scan3A_66, %mul3A_93 : i32
      %add3A_95 = arith.constant 3 : i32
      %add3A_96 = arith.addi %mul3A_94, %add3A_95 : i32
      %dma_start3A_97 = arith.constant 0 : i32
      %dma_start3A_98 = tpu.memref_slice %arg5[%add3A_96, %dma_start3A_97] : memref<40x128xi32, #tpu.memory_space<vmem>> -> memref<1x128xi32, #tpu.memory_space<vmem>>
      %dma_start3A_99 = tpu.memref_squeeze %dma_start3A_98 : memref<1x128xi32, #tpu.memory_space<vmem>> -> memref<128xi32, #tpu.memory_space<vmem>>
      %dma_start3A_100 = arith.constant 0 : i32
      %dma_start3A_101 = tpu.memref_slice %arg7[%dma_start3A_100] : memref<10240xf32, #tpu.memory_space<vmem_shared>> -> memref<10240xf32, #tpu.memory_space<vmem_shared>>
      tpu.enqueue_indirect_dma source(%arg6 : memref<128xf32, #tpu.memory_space<vmem>>) target(%dma_start3A_101 : memref<10240xf32, #tpu.memory_space<vmem_shared>>) offsets(%dma_start3A_99 : memref<128xi32, #tpu.memory_space<vmem>>) semaphore(%arg8 : memref<!tpu.dma_semaphore, #tpu.memory_space<semaphore_mem>>) {add = true}
      %mul3A_102 = arith.constant 8 : i32
      %mul3A_103 = arith.muli %scan3A_66, %mul3A_102 : i32
      %add3A_104 = arith.constant 4 : i32
      %add3A_105 = arith.addi %mul3A_103, %add3A_104 : i32
      %dma_start3A_106 = arith.constant 0 : i32
      %dma_start3A_107 = tpu.memref_slice %arg5[%add3A_105, %dma_start3A_106] : memref<40x128xi32, #tpu.memory_space<vmem>> -> memref<1x128xi32, #tpu.memory_space<vmem>>
      %dma_start3A_108 = tpu.memref_squeeze %dma_start3A_107 : memref<1x128xi32, #tpu.memory_space<vmem>> -> memref<128xi32, #tpu.memory_space<vmem>>
      %dma_start3A_109 = arith.constant 0 : i32
      %dma_start3A_110 = tpu.memref_slice %arg7[%dma_start3A_109] : memref<10240xf32, #tpu.memory_space<vmem_shared>> -> memref<10240xf32, #tpu.memory_space<vmem_shared>>
      tpu.enqueue_indirect_dma source(%arg6 : memref<128xf32, #tpu.memory_space<vmem>>) target(%dma_start3A_110 : memref<10240xf32, #tpu.memory_space<vmem_shared>>) offsets(%dma_start3A_108 : memref<128xi32, #tpu.memory_space<vmem>>) semaphore(%arg8 : memref<!tpu.dma_semaphore, #tpu.memory_space<semaphore_mem>>) {add = true}
      %mul3A_111 = arith.constant 8 : i32
      %mul3A_112 = arith.muli %scan3A_66, %mul3A_111 : i32
      %add3A_113 = arith.constant 5 : i32
      %add3A_114 = arith.addi %mul3A_112, %add3A_113 : i32
      %dma_start3A_115 = arith.constant 0 : i32
      %dma_start3A_116 = tpu.memref_slice %arg5[%add3A_114, %dma_start3A_115] : memref<40x128xi32, #tpu.memory_space<vmem>> -> memref<1x128xi32, #tpu.memory_space<vmem>>
      %dma_start3A_117 = tpu.memref_squeeze %dma_start3A_116 : memref<1x128xi32, #tpu.memory_space<vmem>> -> memref<128xi32, #tpu.memory_space<vmem>>
      %dma_start3A_118 = arith.constant 0 : i32
      %dma_start3A_119 = tpu.memref_slice %arg7[%dma_start3A_118] : memref<10240xf32, #tpu.memory_space<vmem_shared>> -> memref<10240xf32, #tpu.memory_space<vmem_shared>>
      tpu.enqueue_indirect_dma source(%arg6 : memref<128xf32, #tpu.memory_space<vmem>>) target(%dma_start3A_119 : memref<10240xf32, #tpu.memory_space<vmem_shared>>) offsets(%dma_start3A_117 : memref<128xi32, #tpu.memory_space<vmem>>) semaphore(%arg8 : memref<!tpu.dma_semaphore, #tpu.memory_space<semaphore_mem>>) {add = true}
      %mul3A_120 = arith.constant 8 : i32
      %mul3A_121 = arith.muli %scan3A_66, %mul3A_120 : i32
      %add3A_122 = arith.constant 6 : i32
      %add3A_123 = arith.addi %mul3A_121, %add3A_122 : i32
      %dma_start3A_124 = arith.constant 0 : i32
      %dma_start3A_125 = tpu.memref_slice %arg5[%add3A_123, %dma_start3A_124] : memref<40x128xi32, #tpu.memory_space<vmem>> -> memref<1x128xi32, #tpu.memory_space<vmem>>
      %dma_start3A_126 = tpu.memref_squeeze %dma_start3A_125 : memref<1x128xi32, #tpu.memory_space<vmem>> -> memref<128xi32, #tpu.memory_space<vmem>>
      %dma_start3A_127 = arith.constant 0 : i32
      %dma_start3A_128 = tpu.memref_slice %arg7[%dma_start3A_127] : memref<10240xf32, #tpu.memory_space<vmem_shared>> -> memref<10240xf32, #tpu.memory_space<vmem_shared>>
      tpu.enqueue_indirect_dma source(%arg6 : memref<128xf32, #tpu.memory_space<vmem>>) target(%dma_start3A_128 : memref<10240xf32, #tpu.memory_space<vmem_shared>>) offsets(%dma_start3A_126 : memref<128xi32, #tpu.memory_space<vmem>>) semaphore(%arg8 : memref<!tpu.dma_semaphore, #tpu.memory_space<semaphore_mem>>) {add = true}
      %mul3A_129 = arith.constant 8 : i32
      %mul3A_130 = arith.muli %scan3A_66, %mul3A_129 : i32
      %add3A_131 = arith.constant 7 : i32
      %add3A_132 = arith.addi %mul3A_130, %add3A_131 : i32
      %dma_start3A_133 = arith.constant 0 : i32
      %dma_start3A_134 = tpu.memref_slice %arg5[%add3A_132, %dma_start3A_133] : memref<40x128xi32, #tpu.memory_space<vmem>> -> memref<1x128xi32, #tpu.memory_space<vmem>>
      %dma_start3A_135 = tpu.memref_squeeze %dma_start3A_134 : memref<1x128xi32, #tpu.memory_space<vmem>> -> memref<128xi32, #tpu.memory_space<vmem>>
      %dma_start3A_136 = arith.constant 0 : i32
      %dma_start3A_137 = tpu.memref_slice %arg7[%dma_start3A_136] : memref<10240xf32, #tpu.memory_space<vmem_shared>> -> memref<10240xf32, #tpu.memory_space<vmem_shared>>
      tpu.enqueue_indirect_dma source(%arg6 : memref<128xf32, #tpu.memory_space<vmem>>) target(%dma_start3A_137 : memref<10240xf32, #tpu.memory_space<vmem_shared>>) offsets(%dma_start3A_135 : memref<128xi32, #tpu.memory_space<vmem>>) semaphore(%arg8 : memref<!tpu.dma_semaphore, #tpu.memory_space<semaphore_mem>>) {add = true}
      %mul3A_138 = arith.constant 8 : i32
      %mul3A_139 = arith.muli %scan3A_66, %mul3A_138 : i32
      %add3A_140 = arith.constant 0 : i32
      %add3A_141 = arith.addi %mul3A_139, %add3A_140 : i32
      %dma_wait3A = arith.constant 0 : i32
      %dma_wait3A_142 = tpu.memref_slice %arg5[%add3A_141, %dma_wait3A] : memref<40x128xi32, #tpu.memory_space<vmem>> -> memref<1x128xi32, #tpu.memory_space<vmem>>
      %dma_wait3A_143 = tpu.memref_squeeze %dma_wait3A_142 : memref<1x128xi32, #tpu.memory_space<vmem>> -> memref<128xi32, #tpu.memory_space<vmem>>
      %dma_wait3A_144 = arith.constant 0 : i32
      %dma_wait3A_145 = tpu.memref_slice %arg7[%dma_wait3A_144] : memref<10240xf32, #tpu.memory_space<vmem_shared>> -> memref<10240xf32, #tpu.memory_space<vmem_shared>>
      tpu.wait_indirect_dma semaphore(%arg8 : memref<!tpu.dma_semaphore, #tpu.memory_space<semaphore_mem>>) src(%arg6 : memref<128xf32, #tpu.memory_space<vmem>>) dst(%dma_wait3A_145 : memref<10240xf32, #tpu.memory_space<vmem_shared>>)
      %mul3A_146 = arith.constant 8 : i32
      %mul3A_147 = arith.muli %scan3A_66, %mul3A_146 : i32
      %add3A_148 = arith.constant 1 : i32
      %add3A_149 = arith.addi %mul3A_147, %add3A_148 : i32
      %dma_wait3A_150 = arith.constant 0 : i32
      %dma_wait3A_151 = tpu.memref_slice %arg5[%add3A_149, %dma_wait3A_150] : memref<40x128xi32, #tpu.memory_space<vmem>> -> memref<1x128xi32, #tpu.memory_space<vmem>>
      %dma_wait3A_152 = tpu.memref_squeeze %dma_wait3A_151 : memref<1x128xi32, #tpu.memory_space<vmem>> -> memref<128xi32, #tpu.memory_space<vmem>>
      %dma_wait3A_153 = arith.constant 0 : i32
      %dma_wait3A_154 = tpu.memref_slice %arg7[%dma_wait3A_153] : memref<10240xf32, #tpu.memory_space<vmem_shared>> -> memref<10240xf32, #tpu.memory_space<vmem_shared>>
      tpu.wait_indirect_dma semaphore(%arg8 : memref<!tpu.dma_semaphore, #tpu.memory_space<semaphore_mem>>) src(%arg6 : memref<128xf32, #tpu.memory_space<vmem>>) dst(%dma_wait3A_154 : memref<10240xf32, #tpu.memory_space<vmem_shared>>)
      %mul3A_155 = arith.constant 8 : i32
      %mul3A_156 = arith.muli %scan3A_66, %mul3A_155 : i32
      %add3A_157 = arith.constant 2 : i32
      %add3A_158 = arith.addi %mul3A_156, %add3A_157 : i32
      %dma_wait3A_159 = arith.constant 0 : i32
      %dma_wait3A_160 = tpu.memref_slice %arg5[%add3A_158, %dma_wait3A_159] : memref<40x128xi32, #tpu.memory_space<vmem>> -> memref<1x128xi32, #tpu.memory_space<vmem>>
      %dma_wait3A_161 = tpu.memref_squeeze %dma_wait3A_160 : memref<1x128xi32, #tpu.memory_space<vmem>> -> memref<128xi32, #tpu.memory_space<vmem>>
      %dma_wait3A_162 = arith.constant 0 : i32
      %dma_wait3A_163 = tpu.memref_slice %arg7[%dma_wait3A_162] : memref<10240xf32, #tpu.memory_space<vmem_shared>> -> memref<10240xf32, #tpu.memory_space<vmem_shared>>
      tpu.wait_indirect_dma semaphore(%arg8 : memref<!tpu.dma_semaphore, #tpu.memory_space<semaphore_mem>>) src(%arg6 : memref<128xf32, #tpu.memory_space<vmem>>) dst(%dma_wait3A_163 : memref<10240xf32, #tpu.memory_space<vmem_shared>>)
      %mul3A_164 = arith.constant 8 : i32
      %mul3A_165 = arith.muli %scan3A_66, %mul3A_164 : i32
      %add3A_166 = arith.constant 3 : i32
      %add3A_167 = arith.addi %mul3A_165, %add3A_166 : i32
      %dma_wait3A_168 = arith.constant 0 : i32
      %dma_wait3A_169 = tpu.memref_slice %arg5[%add3A_167, %dma_wait3A_168] : memref<40x128xi32, #tpu.memory_space<vmem>> -> memref<1x128xi32, #tpu.memory_space<vmem>>
      %dma_wait3A_170 = tpu.memref_squeeze %dma_wait3A_169 : memref<1x128xi32, #tpu.memory_space<vmem>> -> memref<128xi32, #tpu.memory_space<vmem>>
      %dma_wait3A_171 = arith.constant 0 : i32
      %dma_wait3A_172 = tpu.memref_slice %arg7[%dma_wait3A_171] : memref<10240xf32, #tpu.memory_space<vmem_shared>> -> memref<10240xf32, #tpu.memory_space<vmem_shared>>
      tpu.wait_indirect_dma semaphore(%arg8 : memref<!tpu.dma_semaphore, #tpu.memory_space<semaphore_mem>>) src(%arg6 : memref<128xf32, #tpu.memory_space<vmem>>) dst(%dma_wait3A_172 : memref<10240xf32, #tpu.memory_space<vmem_shared>>)
      %mul3A_173 = arith.constant 8 : i32
      %mul3A_174 = arith.muli %scan3A_66, %mul3A_173 : i32
      %add3A_175 = arith.constant 4 : i32
      %add3A_176 = arith.addi %mul3A_174, %add3A_175 : i32
      %dma_wait3A_177 = arith.constant 0 : i32
      %dma_wait3A_178 = tpu.memref_slice %arg5[%add3A_176, %dma_wait3A_177] : memref<40x128xi32, #tpu.memory_space<vmem>> -> memref<1x128xi32, #tpu.memory_space<vmem>>
      %dma_wait3A_179 = tpu.memref_squeeze %dma_wait3A_178 : memref<1x128xi32, #tpu.memory_space<vmem>> -> memref<128xi32, #tpu.memory_space<vmem>>
      %dma_wait3A_180 = arith.constant 0 : i32
      %dma_wait3A_181 = tpu.memref_slice %arg7[%dma_wait3A_180] : memref<10240xf32, #tpu.memory_space<vmem_shared>> -> memref<10240xf32, #tpu.memory_space<vmem_shared>>
      tpu.wait_indirect_dma semaphore(%arg8 : memref<!tpu.dma_semaphore, #tpu.memory_space<semaphore_mem>>) src(%arg6 : memref<128xf32, #tpu.memory_space<vmem>>) dst(%dma_wait3A_181 : memref<10240xf32, #tpu.memory_space<vmem_shared>>)
      %mul3A_182 = arith.constant 8 : i32
      %mul3A_183 = arith.muli %scan3A_66, %mul3A_182 : i32
      %add3A_184 = arith.constant 5 : i32
      %add3A_185 = arith.addi %mul3A_183, %add3A_184 : i32
      %dma_wait3A_186 = arith.constant 0 : i32
      %dma_wait3A_187 = tpu.memref_slice %arg5[%add3A_185, %dma_wait3A_186] : memref<40x128xi32, #tpu.memory_space<vmem>> -> memref<1x128xi32, #tpu.memory_space<vmem>>
      %dma_wait3A_188 = tpu.memref_squeeze %dma_wait3A_187 : memref<1x128xi32, #tpu.memory_space<vmem>> -> memref<128xi32, #tpu.memory_space<vmem>>
      %dma_wait3A_189 = arith.constant 0 : i32
      %dma_wait3A_190 = tpu.memref_slice %arg7[%dma_wait3A_189] : memref<10240xf32, #tpu.memory_space<vmem_shared>> -> memref<10240xf32, #tpu.memory_space<vmem_shared>>
      tpu.wait_indirect_dma semaphore(%arg8 : memref<!tpu.dma_semaphore, #tpu.memory_space<semaphore_mem>>) src(%arg6 : memref<128xf32, #tpu.memory_space<vmem>>) dst(%dma_wait3A_190 : memref<10240xf32, #tpu.memory_space<vmem_shared>>)
      %mul3A_191 = arith.constant 8 : i32
      %mul3A_192 = arith.muli %scan3A_66, %mul3A_191 : i32
      %add3A_193 = arith.constant 6 : i32
      %add3A_194 = arith.addi %mul3A_192, %add3A_193 : i32
      %dma_wait3A_195 = arith.constant 0 : i32
      %dma_wait3A_196 = tpu.memref_slice %arg5[%add3A_194, %dma_wait3A_195] : memref<40x128xi32, #tpu.memory_space<vmem>> -> memref<1x128xi32, #tpu.memory_space<vmem>>
      %dma_wait3A_197 = tpu.memref_squeeze %dma_wait3A_196 : memref<1x128xi32, #tpu.memory_space<vmem>> -> memref<128xi32, #tpu.memory_space<vmem>>
      %dma_wait3A_198 = arith.constant 0 : i32
      %dma_wait3A_199 = tpu.memref_slice %arg7[%dma_wait3A_198] : memref<10240xf32, #tpu.memory_space<vmem_shared>> -> memref<10240xf32, #tpu.memory_space<vmem_shared>>
      tpu.wait_indirect_dma semaphore(%arg8 : memref<!tpu.dma_semaphore, #tpu.memory_space<semaphore_mem>>) src(%arg6 : memref<128xf32, #tpu.memory_space<vmem>>) dst(%dma_wait3A_199 : memref<10240xf32, #tpu.memory_space<vmem_shared>>)
      %mul3A_200 = arith.constant 8 : i32
      %mul3A_201 = arith.muli %scan3A_66, %mul3A_200 : i32
      %add3A_202 = arith.constant 7 : i32
      %add3A_203 = arith.addi %mul3A_201, %add3A_202 : i32
      %dma_wait3A_204 = arith.constant 0 : i32
      %dma_wait3A_205 = tpu.memref_slice %arg5[%add3A_203, %dma_wait3A_204] : memref<40x128xi32, #tpu.memory_space<vmem>> -> memref<1x128xi32, #tpu.memory_space<vmem>>
      %dma_wait3A_206 = tpu.memref_squeeze %dma_wait3A_205 : memref<1x128xi32, #tpu.memory_space<vmem>> -> memref<128xi32, #tpu.memory_space<vmem>>
      %dma_wait3A_207 = arith.constant 0 : i32
      %dma_wait3A_208 = tpu.memref_slice %arg7[%dma_wait3A_207] : memref<10240xf32, #tpu.memory_space<vmem_shared>> -> memref<10240xf32, #tpu.memory_space<vmem_shared>>
      tpu.wait_indirect_dma semaphore(%arg8 : memref<!tpu.dma_semaphore, #tpu.memory_space<semaphore_mem>>) src(%arg6 : memref<128xf32, #tpu.memory_space<vmem>>) dst(%dma_wait3A_208 : memref<10240xf32, #tpu.memory_space<vmem_shared>>)
    }
    %scan3A_57 = arith.constant 5 : i32
    %barrier3A_58 = arith.constant 0 : index
    tpu.barrier barrier_id(%barrier3A_58)
    %eq3A = arith.constant 0 : i32
    %eq3A_59 = arith.cmpi eq, %arg0, %eq3A : i32
    %convert_element_type3A = arith.extui %eq3A_59 : i1 to i32
    %cond3A = arith.constant 0 : i32
    %cond3A_60 = arith.cmpi ne, %convert_element_type3A, %cond3A : i32
    scf.if %cond3A_60 {
      %mul3A_66 = arith.constant 640 : i32
      %mul3A_67 = arith.muli %arg1, %mul3A_66 : i32
      %mul3A_68 = arith.constant 640 : i32
      %mul3A_69 = arith.muli %arg1, %mul3A_68 : i32
      %run_scoped3A = arith.constant 0 : i32
      "tpu.region"() ({
        %run_scoped3A_70 = tpu.sem_alloc : memref<!tpu.dma_semaphore, #tpu.memory_space<semaphore_mem>>
        %dma_start3A = tpu.memref_slice %arg4[%run_scoped3A, %mul3A_69] : memref<2x10240xf32, #tpu.memory_space<hbm>> -> memref<1x640xf32, #tpu.memory_space<hbm>>
        %dma_start3A_71 = tpu.memref_squeeze %dma_start3A : memref<1x640xf32, #tpu.memory_space<hbm>> -> memref<640xf32, #tpu.memory_space<hbm>>
        %dma_start3A_72 = tpu.memref_slice %arg7[%mul3A_67] : memref<10240xf32, #tpu.memory_space<vmem_shared>> -> memref<640xf32, #tpu.memory_space<vmem_shared>>
        tpu.enqueue_dma source(%dma_start3A_72 : memref<640xf32, #tpu.memory_space<vmem_shared>>) target(%dma_start3A_71 : memref<640xf32, #tpu.memory_space<hbm>>) target_semaphore(%run_scoped3A_70 : memref<!tpu.dma_semaphore, #tpu.memory_space<semaphore_mem>>)
        %dma_wait3A = tpu.memref_slice %arg4[%run_scoped3A, %mul3A_69] : memref<2x10240xf32, #tpu.memory_space<hbm>> -> memref<1x640xf32, #tpu.memory_space<hbm>>
        %dma_wait3A_73 = tpu.memref_squeeze %dma_wait3A : memref<1x640xf32, #tpu.memory_space<hbm>> -> memref<640xf32, #tpu.memory_space<hbm>>
        %dma_wait3A_74 = tpu.memref_slice %arg7[%mul3A_67] : memref<10240xf32, #tpu.memory_space<vmem_shared>> -> memref<640xf32, #tpu.memory_space<vmem_shared>>
        tpu.wait_dma2 semaphore(%run_scoped3A_70 : memref<!tpu.dma_semaphore, #tpu.memory_space<semaphore_mem>>) src(%dma_wait3A_74 : memref<640xf32, #tpu.memory_space<vmem_shared>>) dst(%dma_wait3A_73 : memref<640xf32, #tpu.memory_space<hbm>>)
        tpu.yield
      }) : () -> ()
    } else {
    }
    %eq3A_61 = arith.constant 1 : i32
    %eq3A_62 = arith.cmpi eq, %arg0, %eq3A_61 : i32
    %convert_element_type3A_63 = arith.extui %eq3A_62 : i1 to i32
    %cond3A_64 = arith.constant 0 : i32
    %cond3A_65 = arith.cmpi ne, %convert_element_type3A_63, %cond3A_64 : i32
    scf.if %cond3A_65 {
      %mul3A_66 = arith.constant 640 : i32
      %mul3A_67 = arith.muli %arg1, %mul3A_66 : i32
      %mul3A_68 = arith.constant 640 : i32
      %mul3A_69 = arith.muli %arg1, %mul3A_68 : i32
      %run_scoped3A = arith.constant 1 : i32
      "tpu.region"() ({
        %run_scoped3A_70 = tpu.sem_alloc : memref<!tpu.dma_semaphore, #tpu.memory_space<semaphore_mem>>
        %dma_start3A = tpu.memref_slice %arg4[%run_scoped3A, %mul3A_69] : memref<2x10240xf32, #tpu.memory_space<hbm>> -> memref<1x640xf32, #tpu.memory_space<hbm>>
        %dma_start3A_71 = tpu.memref_squeeze %dma_start3A : memref<1x640xf32, #tpu.memory_space<hbm>> -> memref<640xf32, #tpu.memory_space<hbm>>
        %dma_start3A_72 = tpu.memref_slice %arg7[%mul3A_67] : memref<10240xf32, #tpu.memory_space<vmem_shared>> -> memref<640xf32, #tpu.memory_space<vmem_shared>>
        tpu.enqueue_dma source(%dma_start3A_72 : memref<640xf32, #tpu.memory_space<vmem_shared>>) target(%dma_start3A_71 : memref<640xf32, #tpu.memory_space<hbm>>) target_semaphore(%run_scoped3A_70 : memref<!tpu.dma_semaphore, #tpu.memory_space<semaphore_mem>>)
        %dma_wait3A = tpu.memref_slice %arg4[%run_scoped3A, %mul3A_69] : memref<2x10240xf32, #tpu.memory_space<hbm>> -> memref<1x640xf32, #tpu.memory_space<hbm>>
        %dma_wait3A_73 = tpu.memref_squeeze %dma_wait3A : memref<1x640xf32, #tpu.memory_space<hbm>> -> memref<640xf32, #tpu.memory_space<hbm>>
        %dma_wait3A_74 = tpu.memref_slice %arg7[%mul3A_67] : memref<10240xf32, #tpu.memory_space<vmem_shared>> -> memref<640xf32, #tpu.memory_space<vmem_shared>>
        tpu.wait_dma2 semaphore(%run_scoped3A_70 : memref<!tpu.dma_semaphore, #tpu.memory_space<semaphore_mem>>) src(%dma_wait3A_74 : memref<640xf32, #tpu.memory_space<vmem_shared>>) dst(%dma_wait3A_73 : memref<640xf32, #tpu.memory_space<hbm>>)
        tpu.yield
      }) : () -> ()
    } else {
    }
    return
  }
}

#map = affine_map<(d0, d1) -> (0, 0)>
module attributes {stable_mosaic.version = 14 : i64} {
  func.func @_scatter_kernel(%arg0: i32, %arg1: i32, %arg2: memref<10000x128xf32, #tpu.memory_space<hbm>>, %arg3: memref<10000x128xf32, #tpu.memory_space<hbm>>, %arg4: memref<1280x128xi32, #tpu.memory_space<hbm>>, %arg5: memref<1280x128xi32, #tpu.memory_space<hbm>>, %arg6: memref<10240x128xf32, #tpu.memory_space<hbm>>, %arg7: memref<10240x128xf32, #tpu.memory_space<hbm>>, %arg8: memref<10240x128xf32, #tpu.memory_space<hbm>>, %arg9: memref<128xi32, #tpu.memory_space<vmem>>, %arg10: memref<128xi32, #tpu.memory_space<vmem>>, %arg11: memref<128xi32, #tpu.memory_space<vmem>>, %arg12: memref<128xi32, #tpu.memory_space<vmem>>, %arg13: memref<128xi32, #tpu.memory_space<vmem>>, %arg14: memref<128xi32, #tpu.memory_space<vmem>>, %arg15: memref<128xi32, #tpu.memory_space<vmem>>, %arg16: memref<128xi32, #tpu.memory_space<vmem>>, %arg17: memref<128x128xf32, #tpu.memory_space<vmem>>, %arg18: memref<128x128xf32, #tpu.memory_space<vmem>>, %arg19: memref<10240x128xf32, #tpu.memory_space<vmem_shared>>, %arg20: memref<!tpu.dma_semaphore, #tpu.memory_space<semaphore_mem>>, %arg21: memref<!tpu.dma_semaphore, #tpu.memory_space<semaphore_mem>>, %arg22: memref<!tpu.dma_semaphore, #tpu.memory_space<semaphore_mem>>, %arg23: memref<!tpu.dma_semaphore, #tpu.memory_space<semaphore_mem>>, %arg24: memref<!tpu.dma_semaphore, #tpu.memory_space<semaphore_mem>>, %arg25: memref<!tpu.dma_semaphore, #tpu.memory_space<semaphore_mem>>) attributes {dimension_semantics = [#tpu.dimension_semantics<core_parallel>, #tpu.dimension_semantics<subcore_parallel>], iteration_bounds = array<i64: 2, 16>, scalar_prefetch = 0 : i64, scratch_operands = 17 : i64, tpu.core_type = #tpu.core_type<sc_vector_subcore>, window_params = [{transform_indices = #map}, {transform_indices = #map}, {transform_indices = #map}, {transform_indices = #map}, {transform_indices = #map}, {transform_indices = #map}, {transform_indices = #map}]} {
    %mul3A = arith.constant 80 : i32
    %mul3A_0 = arith.muli %arg1, %mul3A : i32
    %add3A = arith.constant 0 : i32
    %add3A_1 = arith.addi %mul3A_0, %add3A : i32
    %dma_start3A = arith.constant 0 : i32
    %dma_start3A_2 = tpu.memref_slice %arg4[%add3A_1, %dma_start3A] : memref<1280x128xi32, #tpu.memory_space<hbm>> -> memref<1x128xi32, #tpu.memory_space<hbm>>
    %dma_start3A_3 = tpu.memref_squeeze %dma_start3A_2 : memref<1x128xi32, #tpu.memory_space<hbm>> -> memref<128xi32, #tpu.memory_space<hbm>>
    %dma_start3A_4 = arith.constant 0 : i32
    %dma_start3A_5 = tpu.memref_slice %arg4[%add3A_1, %dma_start3A_4] : memref<1280x128xi32, #tpu.memory_space<hbm>> -> memref<1x128xi32, #tpu.memory_space<hbm>>
    %dma_start3A_6 = tpu.memref_squeeze %dma_start3A_5 : memref<1x128xi32, #tpu.memory_space<hbm>> -> memref<128xi32, #tpu.memory_space<hbm>>
    tpu.enqueue_dma source(%dma_start3A_6 : memref<128xi32, #tpu.memory_space<hbm>>) target(%arg9 : memref<128xi32, #tpu.memory_space<vmem>>) target_semaphore(%arg20 : memref<!tpu.dma_semaphore, #tpu.memory_space<semaphore_mem>>)
    %mul3A_7 = arith.constant 80 : i32
    %mul3A_8 = arith.muli %arg1, %mul3A_7 : i32
    %add3A_9 = arith.constant 0 : i32
    %add3A_10 = arith.addi %mul3A_8, %add3A_9 : i32
    %dma_start3A_11 = arith.constant 0 : i32
    %dma_start3A_12 = tpu.memref_slice %arg5[%add3A_10, %dma_start3A_11] : memref<1280x128xi32, #tpu.memory_space<hbm>> -> memref<1x128xi32, #tpu.memory_space<hbm>>
    %dma_start3A_13 = tpu.memref_squeeze %dma_start3A_12 : memref<1x128xi32, #tpu.memory_space<hbm>> -> memref<128xi32, #tpu.memory_space<hbm>>
    %dma_start3A_14 = arith.constant 0 : i32
    %dma_start3A_15 = tpu.memref_slice %arg5[%add3A_10, %dma_start3A_14] : memref<1280x128xi32, #tpu.memory_space<hbm>> -> memref<1x128xi32, #tpu.memory_space<hbm>>
    %dma_start3A_16 = tpu.memref_squeeze %dma_start3A_15 : memref<1x128xi32, #tpu.memory_space<hbm>> -> memref<128xi32, #tpu.memory_space<hbm>>
    tpu.enqueue_dma source(%dma_start3A_16 : memref<128xi32, #tpu.memory_space<hbm>>) target(%arg13 : memref<128xi32, #tpu.memory_space<vmem>>) target_semaphore(%arg20 : memref<!tpu.dma_semaphore, #tpu.memory_space<semaphore_mem>>)
    %mul3A_17 = arith.constant 80 : i32
    %mul3A_18 = arith.muli %arg1, %mul3A_17 : i32
    %add3A_19 = arith.constant 1 : i32
    %add3A_20 = arith.addi %mul3A_18, %add3A_19 : i32
    %dma_start3A_21 = arith.constant 0 : i32
    %dma_start3A_22 = tpu.memref_slice %arg4[%add3A_20, %dma_start3A_21] : memref<1280x128xi32, #tpu.memory_space<hbm>> -> memref<1x128xi32, #tpu.memory_space<hbm>>
    %dma_start3A_23 = tpu.memref_squeeze %dma_start3A_22 : memref<1x128xi32, #tpu.memory_space<hbm>> -> memref<128xi32, #tpu.memory_space<hbm>>
    %dma_start3A_24 = arith.constant 0 : i32
    %dma_start3A_25 = tpu.memref_slice %arg4[%add3A_20, %dma_start3A_24] : memref<1280x128xi32, #tpu.memory_space<hbm>> -> memref<1x128xi32, #tpu.memory_space<hbm>>
    %dma_start3A_26 = tpu.memref_squeeze %dma_start3A_25 : memref<1x128xi32, #tpu.memory_space<hbm>> -> memref<128xi32, #tpu.memory_space<hbm>>
    tpu.enqueue_dma source(%dma_start3A_26 : memref<128xi32, #tpu.memory_space<hbm>>) target(%arg10 : memref<128xi32, #tpu.memory_space<vmem>>) target_semaphore(%arg21 : memref<!tpu.dma_semaphore, #tpu.memory_space<semaphore_mem>>)
    %mul3A_27 = arith.constant 80 : i32
    %mul3A_28 = arith.muli %arg1, %mul3A_27 : i32
    %add3A_29 = arith.constant 1 : i32
    %add3A_30 = arith.addi %mul3A_28, %add3A_29 : i32
    %dma_start3A_31 = arith.constant 0 : i32
    %dma_start3A_32 = tpu.memref_slice %arg5[%add3A_30, %dma_start3A_31] : memref<1280x128xi32, #tpu.memory_space<hbm>> -> memref<1x128xi32, #tpu.memory_space<hbm>>
    %dma_start3A_33 = tpu.memref_squeeze %dma_start3A_32 : memref<1x128xi32, #tpu.memory_space<hbm>> -> memref<128xi32, #tpu.memory_space<hbm>>
    %dma_start3A_34 = arith.constant 0 : i32
    %dma_start3A_35 = tpu.memref_slice %arg5[%add3A_30, %dma_start3A_34] : memref<1280x128xi32, #tpu.memory_space<hbm>> -> memref<1x128xi32, #tpu.memory_space<hbm>>
    %dma_start3A_36 = tpu.memref_squeeze %dma_start3A_35 : memref<1x128xi32, #tpu.memory_space<hbm>> -> memref<128xi32, #tpu.memory_space<hbm>>
    tpu.enqueue_dma source(%dma_start3A_36 : memref<128xi32, #tpu.memory_space<hbm>>) target(%arg14 : memref<128xi32, #tpu.memory_space<vmem>>) target_semaphore(%arg21 : memref<!tpu.dma_semaphore, #tpu.memory_space<semaphore_mem>>)
    %mul3A_37 = arith.constant 80 : i32
    %mul3A_38 = arith.muli %arg1, %mul3A_37 : i32
    %add3A_39 = arith.constant 2 : i32
    %add3A_40 = arith.addi %mul3A_38, %add3A_39 : i32
    %dma_start3A_41 = arith.constant 0 : i32
    %dma_start3A_42 = tpu.memref_slice %arg4[%add3A_40, %dma_start3A_41] : memref<1280x128xi32, #tpu.memory_space<hbm>> -> memref<1x128xi32, #tpu.memory_space<hbm>>
    %dma_start3A_43 = tpu.memref_squeeze %dma_start3A_42 : memref<1x128xi32, #tpu.memory_space<hbm>> -> memref<128xi32, #tpu.memory_space<hbm>>
    %dma_start3A_44 = arith.constant 0 : i32
    %dma_start3A_45 = tpu.memref_slice %arg4[%add3A_40, %dma_start3A_44] : memref<1280x128xi32, #tpu.memory_space<hbm>> -> memref<1x128xi32, #tpu.memory_space<hbm>>
    %dma_start3A_46 = tpu.memref_squeeze %dma_start3A_45 : memref<1x128xi32, #tpu.memory_space<hbm>> -> memref<128xi32, #tpu.memory_space<hbm>>
    tpu.enqueue_dma source(%dma_start3A_46 : memref<128xi32, #tpu.memory_space<hbm>>) target(%arg11 : memref<128xi32, #tpu.memory_space<vmem>>) target_semaphore(%arg22 : memref<!tpu.dma_semaphore, #tpu.memory_space<semaphore_mem>>)
    %mul3A_47 = arith.constant 80 : i32
    %mul3A_48 = arith.muli %arg1, %mul3A_47 : i32
    %add3A_49 = arith.constant 2 : i32
    %add3A_50 = arith.addi %mul3A_48, %add3A_49 : i32
    %dma_start3A_51 = arith.constant 0 : i32
    %dma_start3A_52 = tpu.memref_slice %arg5[%add3A_50, %dma_start3A_51] : memref<1280x128xi32, #tpu.memory_space<hbm>> -> memref<1x128xi32, #tpu.memory_space<hbm>>
    %dma_start3A_53 = tpu.memref_squeeze %dma_start3A_52 : memref<1x128xi32, #tpu.memory_space<hbm>> -> memref<128xi32, #tpu.memory_space<hbm>>
    %dma_start3A_54 = arith.constant 0 : i32
    %dma_start3A_55 = tpu.memref_slice %arg5[%add3A_50, %dma_start3A_54] : memref<1280x128xi32, #tpu.memory_space<hbm>> -> memref<1x128xi32, #tpu.memory_space<hbm>>
    %dma_start3A_56 = tpu.memref_squeeze %dma_start3A_55 : memref<1x128xi32, #tpu.memory_space<hbm>> -> memref<128xi32, #tpu.memory_space<hbm>>
    tpu.enqueue_dma source(%dma_start3A_56 : memref<128xi32, #tpu.memory_space<hbm>>) target(%arg15 : memref<128xi32, #tpu.memory_space<vmem>>) target_semaphore(%arg22 : memref<!tpu.dma_semaphore, #tpu.memory_space<semaphore_mem>>)
    %mul3A_57 = arith.constant 80 : i32
    %mul3A_58 = arith.muli %arg1, %mul3A_57 : i32
    %add3A_59 = arith.constant 3 : i32
    %add3A_60 = arith.addi %mul3A_58, %add3A_59 : i32
    %dma_start3A_61 = arith.constant 0 : i32
    %dma_start3A_62 = tpu.memref_slice %arg4[%add3A_60, %dma_start3A_61] : memref<1280x128xi32, #tpu.memory_space<hbm>> -> memref<1x128xi32, #tpu.memory_space<hbm>>
    %dma_start3A_63 = tpu.memref_squeeze %dma_start3A_62 : memref<1x128xi32, #tpu.memory_space<hbm>> -> memref<128xi32, #tpu.memory_space<hbm>>
    %dma_start3A_64 = arith.constant 0 : i32
    %dma_start3A_65 = tpu.memref_slice %arg4[%add3A_60, %dma_start3A_64] : memref<1280x128xi32, #tpu.memory_space<hbm>> -> memref<1x128xi32, #tpu.memory_space<hbm>>
    %dma_start3A_66 = tpu.memref_squeeze %dma_start3A_65 : memref<1x128xi32, #tpu.memory_space<hbm>> -> memref<128xi32, #tpu.memory_space<hbm>>
    tpu.enqueue_dma source(%dma_start3A_66 : memref<128xi32, #tpu.memory_space<hbm>>) target(%arg12 : memref<128xi32, #tpu.memory_space<vmem>>) target_semaphore(%arg23 : memref<!tpu.dma_semaphore, #tpu.memory_space<semaphore_mem>>)
    %mul3A_67 = arith.constant 80 : i32
    %mul3A_68 = arith.muli %arg1, %mul3A_67 : i32
    %add3A_69 = arith.constant 3 : i32
    %add3A_70 = arith.addi %mul3A_68, %add3A_69 : i32
    %dma_start3A_71 = arith.constant 0 : i32
    %dma_start3A_72 = tpu.memref_slice %arg5[%add3A_70, %dma_start3A_71] : memref<1280x128xi32, #tpu.memory_space<hbm>> -> memref<1x128xi32, #tpu.memory_space<hbm>>
    %dma_start3A_73 = tpu.memref_squeeze %dma_start3A_72 : memref<1x128xi32, #tpu.memory_space<hbm>> -> memref<128xi32, #tpu.memory_space<hbm>>
    %dma_start3A_74 = arith.constant 0 : i32
    %dma_start3A_75 = tpu.memref_slice %arg5[%add3A_70, %dma_start3A_74] : memref<1280x128xi32, #tpu.memory_space<hbm>> -> memref<1x128xi32, #tpu.memory_space<hbm>>
    %dma_start3A_76 = tpu.memref_squeeze %dma_start3A_75 : memref<1x128xi32, #tpu.memory_space<hbm>> -> memref<128xi32, #tpu.memory_space<hbm>>
    tpu.enqueue_dma source(%dma_start3A_76 : memref<128xi32, #tpu.memory_space<hbm>>) target(%arg16 : memref<128xi32, #tpu.memory_space<vmem>>) target_semaphore(%arg23 : memref<!tpu.dma_semaphore, #tpu.memory_space<semaphore_mem>>)
    %mul3A_77 = arith.constant 80 : i32
    %mul3A_78 = arith.muli %arg1, %mul3A_77 : i32
    %add3A_79 = arith.constant 0 : i32
    %add3A_80 = arith.addi %mul3A_78, %add3A_79 : i32
    %dma_wait3A = arith.constant 0 : i32
    %dma_wait3A_81 = tpu.memref_slice %arg4[%add3A_80, %dma_wait3A] : memref<1280x128xi32, #tpu.memory_space<hbm>> -> memref<1x128xi32, #tpu.memory_space<hbm>>
    %dma_wait3A_82 = tpu.memref_squeeze %dma_wait3A_81 : memref<1x128xi32, #tpu.memory_space<hbm>> -> memref<128xi32, #tpu.memory_space<hbm>>
    %dma_wait3A_83 = arith.constant 0 : i32
    %dma_wait3A_84 = tpu.memref_slice %arg4[%add3A_80, %dma_wait3A_83] : memref<1280x128xi32, #tpu.memory_space<hbm>> -> memref<1x128xi32, #tpu.memory_space<hbm>>
    %dma_wait3A_85 = tpu.memref_squeeze %dma_wait3A_84 : memref<1x128xi32, #tpu.memory_space<hbm>> -> memref<128xi32, #tpu.memory_space<hbm>>
    tpu.wait_dma2 semaphore(%arg20 : memref<!tpu.dma_semaphore, #tpu.memory_space<semaphore_mem>>) src(%dma_wait3A_85 : memref<128xi32, #tpu.memory_space<hbm>>) dst(%arg9 : memref<128xi32, #tpu.memory_space<vmem>>)
    %mul3A_86 = arith.constant 80 : i32
    %mul3A_87 = arith.muli %arg1, %mul3A_86 : i32
    %add3A_88 = arith.constant 0 : i32
    %add3A_89 = arith.addi %mul3A_87, %add3A_88 : i32
    %dma_wait3A_90 = arith.constant 0 : i32
    %dma_wait3A_91 = tpu.memref_slice %arg5[%add3A_89, %dma_wait3A_90] : memref<1280x128xi32, #tpu.memory_space<hbm>> -> memref<1x128xi32, #tpu.memory_space<hbm>>
    %dma_wait3A_92 = tpu.memref_squeeze %dma_wait3A_91 : memref<1x128xi32, #tpu.memory_space<hbm>> -> memref<128xi32, #tpu.memory_space<hbm>>
    %dma_wait3A_93 = arith.constant 0 : i32
    %dma_wait3A_94 = tpu.memref_slice %arg5[%add3A_89, %dma_wait3A_93] : memref<1280x128xi32, #tpu.memory_space<hbm>> -> memref<1x128xi32, #tpu.memory_space<hbm>>
    %dma_wait3A_95 = tpu.memref_squeeze %dma_wait3A_94 : memref<1x128xi32, #tpu.memory_space<hbm>> -> memref<128xi32, #tpu.memory_space<hbm>>
    tpu.wait_dma2 semaphore(%arg20 : memref<!tpu.dma_semaphore, #tpu.memory_space<semaphore_mem>>) src(%dma_wait3A_95 : memref<128xi32, #tpu.memory_space<hbm>>) dst(%arg13 : memref<128xi32, #tpu.memory_space<vmem>>)
    %eq3A = arith.constant 0 : i32
    %eq3A_96 = arith.cmpi eq, %arg0, %eq3A : i32
    %convert_element_type3A = arith.extui %eq3A_96 : i1 to i32
    %cond3A = arith.constant 0 : i32
    %cond3A_97 = arith.cmpi ne, %convert_element_type3A, %cond3A : i32
    scf.if %cond3A_97 {
      %dma_start3A_153 = arith.constant 0 : i32
      %dma_start3A_154 = arith.constant 0 : i32
      %dma_start3A_155 = tpu.memref_slice %arg2[%dma_start3A_153, %dma_start3A_154] : memref<10000x128xf32, #tpu.memory_space<hbm>> -> memref<10000x128xf32, #tpu.memory_space<hbm>>
      tpu.enqueue_indirect_dma source(%dma_start3A_155 : memref<10000x128xf32, #tpu.memory_space<hbm>>) target(%arg17 : memref<128x128xf32, #tpu.memory_space<vmem>>) offsets(%arg9 : memref<128xi32, #tpu.memory_space<vmem>>) semaphore(%arg24 : memref<!tpu.dma_semaphore, #tpu.memory_space<semaphore_mem>>)
    } else {
    }
    %eq3A_98 = arith.constant 1 : i32
    %eq3A_99 = arith.cmpi eq, %arg0, %eq3A_98 : i32
    %convert_element_type3A_100 = arith.extui %eq3A_99 : i1 to i32
    %cond3A_101 = arith.constant 0 : i32
    %cond3A_102 = arith.cmpi ne, %convert_element_type3A_100, %cond3A_101 : i32
    scf.if %cond3A_102 {
      %dma_start3A_153 = arith.constant 0 : i32
      %dma_start3A_154 = arith.constant 0 : i32
      %dma_start3A_155 = tpu.memref_slice %arg3[%dma_start3A_153, %dma_start3A_154] : memref<10000x128xf32, #tpu.memory_space<hbm>> -> memref<10000x128xf32, #tpu.memory_space<hbm>>
      tpu.enqueue_indirect_dma source(%dma_start3A_155 : memref<10000x128xf32, #tpu.memory_space<hbm>>) target(%arg17 : memref<128x128xf32, #tpu.memory_space<vmem>>) offsets(%arg9 : memref<128xi32, #tpu.memory_space<vmem>>) semaphore(%arg24 : memref<!tpu.dma_semaphore, #tpu.memory_space<semaphore_mem>>)
    } else {
    }
    %mul3A_103 = arith.constant 80 : i32
    %mul3A_104 = arith.muli %arg1, %mul3A_103 : i32
    %add3A_105 = arith.constant 1 : i32
    %add3A_106 = arith.addi %mul3A_104, %add3A_105 : i32
    %dma_wait3A_107 = arith.constant 0 : i32
    %dma_wait3A_108 = tpu.memref_slice %arg4[%add3A_106, %dma_wait3A_107] : memref<1280x128xi32, #tpu.memory_space<hbm>> -> memref<1x128xi32, #tpu.memory_space<hbm>>
    %dma_wait3A_109 = tpu.memref_squeeze %dma_wait3A_108 : memref<1x128xi32, #tpu.memory_space<hbm>> -> memref<128xi32, #tpu.memory_space<hbm>>
    %dma_wait3A_110 = arith.constant 0 : i32
    %dma_wait3A_111 = tpu.memref_slice %arg4[%add3A_106, %dma_wait3A_110] : memref<1280x128xi32, #tpu.memory_space<hbm>> -> memref<1x128xi32, #tpu.memory_space<hbm>>
    %dma_wait3A_112 = tpu.memref_squeeze %dma_wait3A_111 : memref<1x128xi32, #tpu.memory_space<hbm>> -> memref<128xi32, #tpu.memory_space<hbm>>
    tpu.wait_dma2 semaphore(%arg21 : memref<!tpu.dma_semaphore, #tpu.memory_space<semaphore_mem>>) src(%dma_wait3A_112 : memref<128xi32, #tpu.memory_space<hbm>>) dst(%arg10 : memref<128xi32, #tpu.memory_space<vmem>>)
    %mul3A_113 = arith.constant 80 : i32
    %mul3A_114 = arith.muli %arg1, %mul3A_113 : i32
    %add3A_115 = arith.constant 1 : i32
    %add3A_116 = arith.addi %mul3A_114, %add3A_115 : i32
    %dma_wait3A_117 = arith.constant 0 : i32
    %dma_wait3A_118 = tpu.memref_slice %arg5[%add3A_116, %dma_wait3A_117] : memref<1280x128xi32, #tpu.memory_space<hbm>> -> memref<1x128xi32, #tpu.memory_space<hbm>>
    %dma_wait3A_119 = tpu.memref_squeeze %dma_wait3A_118 : memref<1x128xi32, #tpu.memory_space<hbm>> -> memref<128xi32, #tpu.memory_space<hbm>>
    %dma_wait3A_120 = arith.constant 0 : i32
    %dma_wait3A_121 = tpu.memref_slice %arg5[%add3A_116, %dma_wait3A_120] : memref<1280x128xi32, #tpu.memory_space<hbm>> -> memref<1x128xi32, #tpu.memory_space<hbm>>
    %dma_wait3A_122 = tpu.memref_squeeze %dma_wait3A_121 : memref<1x128xi32, #tpu.memory_space<hbm>> -> memref<128xi32, #tpu.memory_space<hbm>>
    tpu.wait_dma2 semaphore(%arg21 : memref<!tpu.dma_semaphore, #tpu.memory_space<semaphore_mem>>) src(%dma_wait3A_122 : memref<128xi32, #tpu.memory_space<hbm>>) dst(%arg14 : memref<128xi32, #tpu.memory_space<vmem>>)
    %eq3A_123 = arith.constant 0 : i32
    %eq3A_124 = arith.cmpi eq, %arg0, %eq3A_123 : i32
    %convert_element_type3A_125 = arith.extui %eq3A_124 : i1 to i32
    %cond3A_126 = arith.constant 0 : i32
    %cond3A_127 = arith.cmpi ne, %convert_element_type3A_125, %cond3A_126 : i32
    scf.if %cond3A_127 {
      %dma_start3A_153 = arith.constant 0 : i32
      %dma_start3A_154 = arith.constant 0 : i32
      %dma_start3A_155 = tpu.memref_slice %arg2[%dma_start3A_153, %dma_start3A_154] : memref<10000x128xf32, #tpu.memory_space<hbm>> -> memref<10000x128xf32, #tpu.memory_space<hbm>>
      tpu.enqueue_indirect_dma source(%dma_start3A_155 : memref<10000x128xf32, #tpu.memory_space<hbm>>) target(%arg18 : memref<128x128xf32, #tpu.memory_space<vmem>>) offsets(%arg10 : memref<128xi32, #tpu.memory_space<vmem>>) semaphore(%arg25 : memref<!tpu.dma_semaphore, #tpu.memory_space<semaphore_mem>>)
    } else {
    }
    %eq3A_128 = arith.constant 1 : i32
    %eq3A_129 = arith.cmpi eq, %arg0, %eq3A_128 : i32
    %convert_element_type3A_130 = arith.extui %eq3A_129 : i1 to i32
    %cond3A_131 = arith.constant 0 : i32
    %cond3A_132 = arith.cmpi ne, %convert_element_type3A_130, %cond3A_131 : i32
    scf.if %cond3A_132 {
      %dma_start3A_153 = arith.constant 0 : i32
      %dma_start3A_154 = arith.constant 0 : i32
      %dma_start3A_155 = tpu.memref_slice %arg3[%dma_start3A_153, %dma_start3A_154] : memref<10000x128xf32, #tpu.memory_space<hbm>> -> memref<10000x128xf32, #tpu.memory_space<hbm>>
      tpu.enqueue_indirect_dma source(%dma_start3A_155 : memref<10000x128xf32, #tpu.memory_space<hbm>>) target(%arg18 : memref<128x128xf32, #tpu.memory_space<vmem>>) offsets(%arg10 : memref<128xi32, #tpu.memory_space<vmem>>) semaphore(%arg25 : memref<!tpu.dma_semaphore, #tpu.memory_space<semaphore_mem>>)
    } else {
    }
    %mul3A_133 = arith.constant 640 : i32
    %mul3A_134 = arith.muli %arg1, %mul3A_133 : i32
    %mul3A_135 = arith.constant 640 : i32
    %mul3A_136 = arith.muli %arg1, %mul3A_135 : i32
    "tpu.region"() ({
      %run_scoped3A = tpu.sem_alloc : memref<!tpu.dma_semaphore, #tpu.memory_space<semaphore_mem>>
      %dma_start3A_153 = arith.constant 0 : i32
      %dma_start3A_154 = tpu.memref_slice %arg19[%mul3A_136, %dma_start3A_153] : memref<10240x128xf32, #tpu.memory_space<vmem_shared>> -> memref<640x128xf32, #tpu.memory_space<vmem_shared>>
      %dma_start3A_155 = arith.constant 0 : i32
      %dma_start3A_156 = tpu.memref_slice %arg6[%mul3A_134, %dma_start3A_155] : memref<10240x128xf32, #tpu.memory_space<hbm>> -> memref<640x128xf32, #tpu.memory_space<hbm>>
      tpu.enqueue_dma source(%dma_start3A_156 : memref<640x128xf32, #tpu.memory_space<hbm>>) target(%dma_start3A_154 : memref<640x128xf32, #tpu.memory_space<vmem_shared>>) target_semaphore(%run_scoped3A : memref<!tpu.dma_semaphore, #tpu.memory_space<semaphore_mem>>)
      %dma_wait3A_157 = arith.constant 0 : i32
      %dma_wait3A_158 = tpu.memref_slice %arg19[%mul3A_136, %dma_wait3A_157] : memref<10240x128xf32, #tpu.memory_space<vmem_shared>> -> memref<640x128xf32, #tpu.memory_space<vmem_shared>>
      %dma_wait3A_159 = arith.constant 0 : i32
      %dma_wait3A_160 = tpu.memref_slice %arg6[%mul3A_134, %dma_wait3A_159] : memref<10240x128xf32, #tpu.memory_space<hbm>> -> memref<640x128xf32, #tpu.memory_space<hbm>>
      tpu.wait_dma2 semaphore(%run_scoped3A : memref<!tpu.dma_semaphore, #tpu.memory_space<semaphore_mem>>) src(%dma_wait3A_160 : memref<640x128xf32, #tpu.memory_space<hbm>>) dst(%dma_wait3A_158 : memref<640x128xf32, #tpu.memory_space<vmem_shared>>)
      tpu.yield
    }) : () -> ()
    %barrier3A = arith.constant 0 : index
    tpu.barrier barrier_id(%barrier3A)
    %scan3A = arith.constant 0 : i32
    %scan3A_137 = arith.constant 0 : i32
    %scan3A_138 = arith.constant 20 : i32
    %scan3A_139 = arith.addi %scan3A_137, %scan3A_138 : i32
    %scan3A_140 = arith.constant 1 : i32
    scf.for %scan3A_153 = %scan3A_137 to %scan3A_139 step %scan3A_140  : i32 {
      %mul3A_154 = arith.constant 4 : i32
      %mul3A_155 = arith.muli %scan3A_153, %mul3A_154 : i32
      %add3A_156 = arith.constant 0 : i32
      %add3A_157 = arith.addi %mul3A_155, %add3A_156 : i32
      %dma_wait3A_158 = arith.constant 0 : i32
      %dma_wait3A_159 = arith.constant 0 : i32
      %dma_wait3A_160 = tpu.memref_slice %arg2[%dma_wait3A_158, %dma_wait3A_159] : memref<10000x128xf32, #tpu.memory_space<hbm>> -> memref<10000x128xf32, #tpu.memory_space<hbm>>
      tpu.wait_indirect_dma semaphore(%arg24 : memref<!tpu.dma_semaphore, #tpu.memory_space<semaphore_mem>>) src(%dma_wait3A_160 : memref<10000x128xf32, #tpu.memory_space<hbm>>) dst(%arg17 : memref<128x128xf32, #tpu.memory_space<vmem>>)
      "tpu.region"() ({
        %run_scoped3A = tpu.sem_alloc : memref<!tpu.dma_semaphore, #tpu.memory_space<semaphore_mem>>
        %dma_start3A_237 = arith.constant 0 : i32
        %dma_start3A_238 = arith.constant 0 : i32
        %dma_start3A_239 = tpu.memref_slice %arg19[%dma_start3A_237, %dma_start3A_238] : memref<10240x128xf32, #tpu.memory_space<vmem_shared>> -> memref<10240x128xf32, #tpu.memory_space<vmem_shared>>
        tpu.enqueue_indirect_dma source(%arg17 : memref<128x128xf32, #tpu.memory_space<vmem>>) target(%dma_start3A_239 : memref<10240x128xf32, #tpu.memory_space<vmem_shared>>) offsets(%arg13 : memref<128xi32, #tpu.memory_space<vmem>>) semaphore(%run_scoped3A : memref<!tpu.dma_semaphore, #tpu.memory_space<semaphore_mem>>) {add = true}
        %dma_wait3A_240 = arith.constant 0 : i32
        %dma_wait3A_241 = arith.constant 0 : i32
        %dma_wait3A_242 = tpu.memref_slice %arg19[%dma_wait3A_240, %dma_wait3A_241] : memref<10240x128xf32, #tpu.memory_space<vmem_shared>> -> memref<10240x128xf32, #tpu.memory_space<vmem_shared>>
        tpu.wait_indirect_dma semaphore(%run_scoped3A : memref<!tpu.dma_semaphore, #tpu.memory_space<semaphore_mem>>) src(%arg17 : memref<128x128xf32, #tpu.memory_space<vmem>>) dst(%dma_wait3A_242 : memref<10240x128xf32, #tpu.memory_space<vmem_shared>>)
        tpu.yield
      }) : () -> ()
      %add3A_161 = arith.constant 4 : i32
      %add3A_162 = arith.addi %add3A_157, %add3A_161 : i32
      %lt3A = arith.constant 80 : i32
      %lt3A_163 = arith.cmpi slt, %add3A_162, %lt3A : i32
      %convert_element_type3A_164 = arith.extui %lt3A_163 : i1 to i32
      %cond3A_165 = arith.constant 0 : i32
      %cond3A_166 = arith.cmpi ne, %convert_element_type3A_164, %cond3A_165 : i32
      scf.if %cond3A_166 {
        %add3A_237 = arith.constant 4 : i32
        %add3A_238 = arith.addi %add3A_157, %add3A_237 : i32
        %mul3A_239 = arith.constant 80 : i32
        %mul3A_240 = arith.muli %arg1, %mul3A_239 : i32
        %add3A_241 = arith.addi %mul3A_240, %add3A_238 : i32
        %dma_start3A_242 = arith.constant 0 : i32
        %dma_start3A_243 = tpu.memref_slice %arg4[%add3A_241, %dma_start3A_242] : memref<1280x128xi32, #tpu.memory_space<hbm>> -> memref<1x128xi32, #tpu.memory_space<hbm>>
        %dma_start3A_244 = tpu.memref_squeeze %dma_start3A_243 : memref<1x128xi32, #tpu.memory_space<hbm>> -> memref<128xi32, #tpu.memory_space<hbm>>
        %dma_start3A_245 = arith.constant 0 : i32
        %dma_start3A_246 = tpu.memref_slice %arg4[%add3A_241, %dma_start3A_245] : memref<1280x128xi32, #tpu.memory_space<hbm>> -> memref<1x128xi32, #tpu.memory_space<hbm>>
        %dma_start3A_247 = tpu.memref_squeeze %dma_start3A_246 : memref<1x128xi32, #tpu.memory_space<hbm>> -> memref<128xi32, #tpu.memory_space<hbm>>
        tpu.enqueue_dma source(%dma_start3A_247 : memref<128xi32, #tpu.memory_space<hbm>>) target(%arg9 : memref<128xi32, #tpu.memory_space<vmem>>) target_semaphore(%arg20 : memref<!tpu.dma_semaphore, #tpu.memory_space<semaphore_mem>>)
        %mul3A_248 = arith.constant 80 : i32
        %mul3A_249 = arith.muli %arg1, %mul3A_248 : i32
        %add3A_250 = arith.addi %mul3A_249, %add3A_238 : i32
        %dma_start3A_251 = arith.constant 0 : i32
        %dma_start3A_252 = tpu.memref_slice %arg5[%add3A_250, %dma_start3A_251] : memref<1280x128xi32, #tpu.memory_space<hbm>> -> memref<1x128xi32, #tpu.memory_space<hbm>>
        %dma_start3A_253 = tpu.memref_squeeze %dma_start3A_252 : memref<1x128xi32, #tpu.memory_space<hbm>> -> memref<128xi32, #tpu.memory_space<hbm>>
        %dma_start3A_254 = arith.constant 0 : i32
        %dma_start3A_255 = tpu.memref_slice %arg5[%add3A_250, %dma_start3A_254] : memref<1280x128xi32, #tpu.memory_space<hbm>> -> memref<1x128xi32, #tpu.memory_space<hbm>>
        %dma_start3A_256 = tpu.memref_squeeze %dma_start3A_255 : memref<1x128xi32, #tpu.memory_space<hbm>> -> memref<128xi32, #tpu.memory_space<hbm>>
        tpu.enqueue_dma source(%dma_start3A_256 : memref<128xi32, #tpu.memory_space<hbm>>) target(%arg13 : memref<128xi32, #tpu.memory_space<vmem>>) target_semaphore(%arg20 : memref<!tpu.dma_semaphore, #tpu.memory_space<semaphore_mem>>)
      } else {
      }
      %add3A_167 = arith.constant 2 : i32
      %add3A_168 = arith.addi %add3A_157, %add3A_167 : i32
      %lt3A_169 = arith.constant 80 : i32
      %lt3A_170 = arith.cmpi slt, %add3A_168, %lt3A_169 : i32
      %convert_element_type3A_171 = arith.extui %lt3A_170 : i1 to i32
      %cond3A_172 = arith.constant 0 : i32
      %cond3A_173 = arith.cmpi ne, %convert_element_type3A_171, %cond3A_172 : i32
      scf.if %cond3A_173 {
        %add3A_237 = arith.constant 2 : i32
        %add3A_238 = arith.addi %add3A_157, %add3A_237 : i32
        %mul3A_239 = arith.constant 80 : i32
        %mul3A_240 = arith.muli %arg1, %mul3A_239 : i32
        %add3A_241 = arith.addi %mul3A_240, %add3A_238 : i32
        %dma_wait3A_242 = arith.constant 0 : i32
        %dma_wait3A_243 = tpu.memref_slice %arg4[%add3A_241, %dma_wait3A_242] : memref<1280x128xi32, #tpu.memory_space<hbm>> -> memref<1x128xi32, #tpu.memory_space<hbm>>
        %dma_wait3A_244 = tpu.memref_squeeze %dma_wait3A_243 : memref<1x128xi32, #tpu.memory_space<hbm>> -> memref<128xi32, #tpu.memory_space<hbm>>
        %dma_wait3A_245 = arith.constant 0 : i32
        %dma_wait3A_246 = tpu.memref_slice %arg4[%add3A_241, %dma_wait3A_245] : memref<1280x128xi32, #tpu.memory_space<hbm>> -> memref<1x128xi32, #tpu.memory_space<hbm>>
        %dma_wait3A_247 = tpu.memref_squeeze %dma_wait3A_246 : memref<1x128xi32, #tpu.memory_space<hbm>> -> memref<128xi32, #tpu.memory_space<hbm>>
        tpu.wait_dma2 semaphore(%arg22 : memref<!tpu.dma_semaphore, #tpu.memory_space<semaphore_mem>>) src(%dma_wait3A_247 : memref<128xi32, #tpu.memory_space<hbm>>) dst(%arg11 : memref<128xi32, #tpu.memory_space<vmem>>)
        %mul3A_248 = arith.constant 80 : i32
        %mul3A_249 = arith.muli %arg1, %mul3A_248 : i32
        %add3A_250 = arith.addi %mul3A_249, %add3A_238 : i32
        %dma_wait3A_251 = arith.constant 0 : i32
        %dma_wait3A_252 = tpu.memref_slice %arg5[%add3A_250, %dma_wait3A_251] : memref<1280x128xi32, #tpu.memory_space<hbm>> -> memref<1x128xi32, #tpu.memory_space<hbm>>
        %dma_wait3A_253 = tpu.memref_squeeze %dma_wait3A_252 : memref<1x128xi32, #tpu.memory_space<hbm>> -> memref<128xi32, #tpu.memory_space<hbm>>
        %dma_wait3A_254 = arith.constant 0 : i32
        %dma_wait3A_255 = tpu.memref_slice %arg5[%add3A_250, %dma_wait3A_254] : memref<1280x128xi32, #tpu.memory_space<hbm>> -> memref<1x128xi32, #tpu.memory_space<hbm>>
        %dma_wait3A_256 = tpu.memref_squeeze %dma_wait3A_255 : memref<1x128xi32, #tpu.memory_space<hbm>> -> memref<128xi32, #tpu.memory_space<hbm>>
        tpu.wait_dma2 semaphore(%arg22 : memref<!tpu.dma_semaphore, #tpu.memory_space<semaphore_mem>>) src(%dma_wait3A_256 : memref<128xi32, #tpu.memory_space<hbm>>) dst(%arg15 : memref<128xi32, #tpu.memory_space<vmem>>)
        %eq3A_257 = arith.constant 0 : i32
        %eq3A_258 = arith.cmpi eq, %arg0, %eq3A_257 : i32
        %convert_element_type3A_259 = arith.extui %eq3A_258 : i1 to i32
        %cond3A_260 = arith.constant 0 : i32
        %cond3A_261 = arith.cmpi ne, %convert_element_type3A_259, %cond3A_260 : i32
        scf.if %cond3A_261 {
          %dma_start3A_267 = arith.constant 0 : i32
          %dma_start3A_268 = arith.constant 0 : i32
          %dma_start3A_269 = tpu.memref_slice %arg2[%dma_start3A_267, %dma_start3A_268] : memref<10000x128xf32, #tpu.memory_space<hbm>> -> memref<10000x128xf32, #tpu.memory_space<hbm>>
          tpu.enqueue_indirect_dma source(%dma_start3A_269 : memref<10000x128xf32, #tpu.memory_space<hbm>>) target(%arg17 : memref<128x128xf32, #tpu.memory_space<vmem>>) offsets(%arg11 : memref<128xi32, #tpu.memory_space<vmem>>) semaphore(%arg24 : memref<!tpu.dma_semaphore, #tpu.memory_space<semaphore_mem>>)
        } else {
        }
        %eq3A_262 = arith.constant 1 : i32
        %eq3A_263 = arith.cmpi eq, %arg0, %eq3A_262 : i32
        %convert_element_type3A_264 = arith.extui %eq3A_263 : i1 to i32
        %cond3A_265 = arith.constant 0 : i32
        %cond3A_266 = arith.cmpi ne, %convert_element_type3A_264, %cond3A_265 : i32
        scf.if %cond3A_266 {
          %dma_start3A_267 = arith.constant 0 : i32
          %dma_start3A_268 = arith.constant 0 : i32
          %dma_start3A_269 = tpu.memref_slice %arg3[%dma_start3A_267, %dma_start3A_268] : memref<10000x128xf32, #tpu.memory_space<hbm>> -> memref<10000x128xf32, #tpu.memory_space<hbm>>
          tpu.enqueue_indirect_dma source(%dma_start3A_269 : memref<10000x128xf32, #tpu.memory_space<hbm>>) target(%arg17 : memref<128x128xf32, #tpu.memory_space<vmem>>) offsets(%arg11 : memref<128xi32, #tpu.memory_space<vmem>>) semaphore(%arg24 : memref<!tpu.dma_semaphore, #tpu.memory_space<semaphore_mem>>)
        } else {
        }
      } else {
      }
      %mul3A_174 = arith.constant 4 : i32
      %mul3A_175 = arith.muli %scan3A_153, %mul3A_174 : i32
      %add3A_176 = arith.constant 1 : i32
      %add3A_177 = arith.addi %mul3A_175, %add3A_176 : i32
      %dma_wait3A_178 = arith.constant 0 : i32
      %dma_wait3A_179 = arith.constant 0 : i32
      %dma_wait3A_180 = tpu.memref_slice %arg2[%dma_wait3A_178, %dma_wait3A_179] : memref<10000x128xf32, #tpu.memory_space<hbm>> -> memref<10000x128xf32, #tpu.memory_space<hbm>>
      tpu.wait_indirect_dma semaphore(%arg25 : memref<!tpu.dma_semaphore, #tpu.memory_space<semaphore_mem>>) src(%dma_wait3A_180 : memref<10000x128xf32, #tpu.memory_space<hbm>>) dst(%arg18 : memref<128x128xf32, #tpu.memory_space<vmem>>)
      "tpu.region"() ({
        %run_scoped3A = tpu.sem_alloc : memref<!tpu.dma_semaphore, #tpu.memory_space<semaphore_mem>>
        %dma_start3A_237 = arith.constant 0 : i32
        %dma_start3A_238 = arith.constant 0 : i32
        %dma_start3A_239 = tpu.memref_slice %arg19[%dma_start3A_237, %dma_start3A_238] : memref<10240x128xf32, #tpu.memory_space<vmem_shared>> -> memref<10240x128xf32, #tpu.memory_space<vmem_shared>>
        tpu.enqueue_indirect_dma source(%arg18 : memref<128x128xf32, #tpu.memory_space<vmem>>) target(%dma_start3A_239 : memref<10240x128xf32, #tpu.memory_space<vmem_shared>>) offsets(%arg14 : memref<128xi32, #tpu.memory_space<vmem>>) semaphore(%run_scoped3A : memref<!tpu.dma_semaphore, #tpu.memory_space<semaphore_mem>>) {add = true}
        %dma_wait3A_240 = arith.constant 0 : i32
        %dma_wait3A_241 = arith.constant 0 : i32
        %dma_wait3A_242 = tpu.memref_slice %arg19[%dma_wait3A_240, %dma_wait3A_241] : memref<10240x128xf32, #tpu.memory_space<vmem_shared>> -> memref<10240x128xf32, #tpu.memory_space<vmem_shared>>
        tpu.wait_indirect_dma semaphore(%run_scoped3A : memref<!tpu.dma_semaphore, #tpu.memory_space<semaphore_mem>>) src(%arg18 : memref<128x128xf32, #tpu.memory_space<vmem>>) dst(%dma_wait3A_242 : memref<10240x128xf32, #tpu.memory_space<vmem_shared>>)
        tpu.yield
      }) : () -> ()
      %add3A_181 = arith.constant 4 : i32
      %add3A_182 = arith.addi %add3A_177, %add3A_181 : i32
      %lt3A_183 = arith.constant 80 : i32
      %lt3A_184 = arith.cmpi slt, %add3A_182, %lt3A_183 : i32
      %convert_element_type3A_185 = arith.extui %lt3A_184 : i1 to i32
      %cond3A_186 = arith.constant 0 : i32
      %cond3A_187 = arith.cmpi ne, %convert_element_type3A_185, %cond3A_186 : i32
      scf.if %cond3A_187 {
        %add3A_237 = arith.constant 4 : i32
        %add3A_238 = arith.addi %add3A_177, %add3A_237 : i32
        %mul3A_239 = arith.constant 80 : i32
        %mul3A_240 = arith.muli %arg1, %mul3A_239 : i32
        %add3A_241 = arith.addi %mul3A_240, %add3A_238 : i32
        %dma_start3A_242 = arith.constant 0 : i32
        %dma_start3A_243 = tpu.memref_slice %arg4[%add3A_241, %dma_start3A_242] : memref<1280x128xi32, #tpu.memory_space<hbm>> -> memref<1x128xi32, #tpu.memory_space<hbm>>
        %dma_start3A_244 = tpu.memref_squeeze %dma_start3A_243 : memref<1x128xi32, #tpu.memory_space<hbm>> -> memref<128xi32, #tpu.memory_space<hbm>>
        %dma_start3A_245 = arith.constant 0 : i32
        %dma_start3A_246 = tpu.memref_slice %arg4[%add3A_241, %dma_start3A_245] : memref<1280x128xi32, #tpu.memory_space<hbm>> -> memref<1x128xi32, #tpu.memory_space<hbm>>
        %dma_start3A_247 = tpu.memref_squeeze %dma_start3A_246 : memref<1x128xi32, #tpu.memory_space<hbm>> -> memref<128xi32, #tpu.memory_space<hbm>>
        tpu.enqueue_dma source(%dma_start3A_247 : memref<128xi32, #tpu.memory_space<hbm>>) target(%arg10 : memref<128xi32, #tpu.memory_space<vmem>>) target_semaphore(%arg21 : memref<!tpu.dma_semaphore, #tpu.memory_space<semaphore_mem>>)
        %mul3A_248 = arith.constant 80 : i32
        %mul3A_249 = arith.muli %arg1, %mul3A_248 : i32
        %add3A_250 = arith.addi %mul3A_249, %add3A_238 : i32
        %dma_start3A_251 = arith.constant 0 : i32
        %dma_start3A_252 = tpu.memref_slice %arg5[%add3A_250, %dma_start3A_251] : memref<1280x128xi32, #tpu.memory_space<hbm>> -> memref<1x128xi32, #tpu.memory_space<hbm>>
        %dma_start3A_253 = tpu.memref_squeeze %dma_start3A_252 : memref<1x128xi32, #tpu.memory_space<hbm>> -> memref<128xi32, #tpu.memory_space<hbm>>
        %dma_start3A_254 = arith.constant 0 : i32
        %dma_start3A_255 = tpu.memref_slice %arg5[%add3A_250, %dma_start3A_254] : memref<1280x128xi32, #tpu.memory_space<hbm>> -> memref<1x128xi32, #tpu.memory_space<hbm>>
        %dma_start3A_256 = tpu.memref_squeeze %dma_start3A_255 : memref<1x128xi32, #tpu.memory_space<hbm>> -> memref<128xi32, #tpu.memory_space<hbm>>
        tpu.enqueue_dma source(%dma_start3A_256 : memref<128xi32, #tpu.memory_space<hbm>>) target(%arg14 : memref<128xi32, #tpu.memory_space<vmem>>) target_semaphore(%arg21 : memref<!tpu.dma_semaphore, #tpu.memory_space<semaphore_mem>>)
      } else {
      }
      %add3A_188 = arith.constant 2 : i32
      %add3A_189 = arith.addi %add3A_177, %add3A_188 : i32
      %lt3A_190 = arith.constant 80 : i32
      %lt3A_191 = arith.cmpi slt, %add3A_189, %lt3A_190 : i32
      %convert_element_type3A_192 = arith.extui %lt3A_191 : i1 to i32
      %cond3A_193 = arith.constant 0 : i32
      %cond3A_194 = arith.cmpi ne, %convert_element_type3A_192, %cond3A_193 : i32
      scf.if %cond3A_194 {
        %add3A_237 = arith.constant 2 : i32
        %add3A_238 = arith.addi %add3A_177, %add3A_237 : i32
        %mul3A_239 = arith.constant 80 : i32
        %mul3A_240 = arith.muli %arg1, %mul3A_239 : i32
        %add3A_241 = arith.addi %mul3A_240, %add3A_238 : i32
        %dma_wait3A_242 = arith.constant 0 : i32
        %dma_wait3A_243 = tpu.memref_slice %arg4[%add3A_241, %dma_wait3A_242] : memref<1280x128xi32, #tpu.memory_space<hbm>> -> memref<1x128xi32, #tpu.memory_space<hbm>>
        %dma_wait3A_244 = tpu.memref_squeeze %dma_wait3A_243 : memref<1x128xi32, #tpu.memory_space<hbm>> -> memref<128xi32, #tpu.memory_space<hbm>>
        %dma_wait3A_245 = arith.constant 0 : i32
        %dma_wait3A_246 = tpu.memref_slice %arg4[%add3A_241, %dma_wait3A_245] : memref<1280x128xi32, #tpu.memory_space<hbm>> -> memref<1x128xi32, #tpu.memory_space<hbm>>
        %dma_wait3A_247 = tpu.memref_squeeze %dma_wait3A_246 : memref<1x128xi32, #tpu.memory_space<hbm>> -> memref<128xi32, #tpu.memory_space<hbm>>
        tpu.wait_dma2 semaphore(%arg23 : memref<!tpu.dma_semaphore, #tpu.memory_space<semaphore_mem>>) src(%dma_wait3A_247 : memref<128xi32, #tpu.memory_space<hbm>>) dst(%arg12 : memref<128xi32, #tpu.memory_space<vmem>>)
        %mul3A_248 = arith.constant 80 : i32
        %mul3A_249 = arith.muli %arg1, %mul3A_248 : i32
        %add3A_250 = arith.addi %mul3A_249, %add3A_238 : i32
        %dma_wait3A_251 = arith.constant 0 : i32
        %dma_wait3A_252 = tpu.memref_slice %arg5[%add3A_250, %dma_wait3A_251] : memref<1280x128xi32, #tpu.memory_space<hbm>> -> memref<1x128xi32, #tpu.memory_space<hbm>>
        %dma_wait3A_253 = tpu.memref_squeeze %dma_wait3A_252 : memref<1x128xi32, #tpu.memory_space<hbm>> -> memref<128xi32, #tpu.memory_space<hbm>>
        %dma_wait3A_254 = arith.constant 0 : i32
        %dma_wait3A_255 = tpu.memref_slice %arg5[%add3A_250, %dma_wait3A_254] : memref<1280x128xi32, #tpu.memory_space<hbm>> -> memref<1x128xi32, #tpu.memory_space<hbm>>
        %dma_wait3A_256 = tpu.memref_squeeze %dma_wait3A_255 : memref<1x128xi32, #tpu.memory_space<hbm>> -> memref<128xi32, #tpu.memory_space<hbm>>
        tpu.wait_dma2 semaphore(%arg23 : memref<!tpu.dma_semaphore, #tpu.memory_space<semaphore_mem>>) src(%dma_wait3A_256 : memref<128xi32, #tpu.memory_space<hbm>>) dst(%arg16 : memref<128xi32, #tpu.memory_space<vmem>>)
        %eq3A_257 = arith.constant 0 : i32
        %eq3A_258 = arith.cmpi eq, %arg0, %eq3A_257 : i32
        %convert_element_type3A_259 = arith.extui %eq3A_258 : i1 to i32
        %cond3A_260 = arith.constant 0 : i32
        %cond3A_261 = arith.cmpi ne, %convert_element_type3A_259, %cond3A_260 : i32
        scf.if %cond3A_261 {
          %dma_start3A_267 = arith.constant 0 : i32
          %dma_start3A_268 = arith.constant 0 : i32
          %dma_start3A_269 = tpu.memref_slice %arg2[%dma_start3A_267, %dma_start3A_268] : memref<10000x128xf32, #tpu.memory_space<hbm>> -> memref<10000x128xf32, #tpu.memory_space<hbm>>
          tpu.enqueue_indirect_dma source(%dma_start3A_269 : memref<10000x128xf32, #tpu.memory_space<hbm>>) target(%arg18 : memref<128x128xf32, #tpu.memory_space<vmem>>) offsets(%arg12 : memref<128xi32, #tpu.memory_space<vmem>>) semaphore(%arg25 : memref<!tpu.dma_semaphore, #tpu.memory_space<semaphore_mem>>)
        } else {
        }
        %eq3A_262 = arith.constant 1 : i32
        %eq3A_263 = arith.cmpi eq, %arg0, %eq3A_262 : i32
        %convert_element_type3A_264 = arith.extui %eq3A_263 : i1 to i32
        %cond3A_265 = arith.constant 0 : i32
        %cond3A_266 = arith.cmpi ne, %convert_element_type3A_264, %cond3A_265 : i32
        scf.if %cond3A_266 {
          %dma_start3A_267 = arith.constant 0 : i32
          %dma_start3A_268 = arith.constant 0 : i32
          %dma_start3A_269 = tpu.memref_slice %arg3[%dma_start3A_267, %dma_start3A_268] : memref<10000x128xf32, #tpu.memory_space<hbm>> -> memref<10000x128xf32, #tpu.memory_space<hbm>>
          tpu.enqueue_indirect_dma source(%dma_start3A_269 : memref<10000x128xf32, #tpu.memory_space<hbm>>) target(%arg18 : memref<128x128xf32, #tpu.memory_space<vmem>>) offsets(%arg12 : memref<128xi32, #tpu.memory_space<vmem>>) semaphore(%arg25 : memref<!tpu.dma_semaphore, #tpu.memory_space<semaphore_mem>>)
        } else {
        }
      } else {
      }
      %mul3A_195 = arith.constant 4 : i32
      %mul3A_196 = arith.muli %scan3A_153, %mul3A_195 : i32
      %add3A_197 = arith.constant 2 : i32
      %add3A_198 = arith.addi %mul3A_196, %add3A_197 : i32
      %dma_wait3A_199 = arith.constant 0 : i32
      %dma_wait3A_200 = arith.constant 0 : i32
      %dma_wait3A_201 = tpu.memref_slice %arg2[%dma_wait3A_199, %dma_wait3A_200] : memref<10000x128xf32, #tpu.memory_space<hbm>> -> memref<10000x128xf32, #tpu.memory_space<hbm>>
      tpu.wait_indirect_dma semaphore(%arg24 : memref<!tpu.dma_semaphore, #tpu.memory_space<semaphore_mem>>) src(%dma_wait3A_201 : memref<10000x128xf32, #tpu.memory_space<hbm>>) dst(%arg17 : memref<128x128xf32, #tpu.memory_space<vmem>>)
      "tpu.region"() ({
        %run_scoped3A = tpu.sem_alloc : memref<!tpu.dma_semaphore, #tpu.memory_space<semaphore_mem>>
        %dma_start3A_237 = arith.constant 0 : i32
        %dma_start3A_238 = arith.constant 0 : i32
        %dma_start3A_239 = tpu.memref_slice %arg19[%dma_start3A_237, %dma_start3A_238] : memref<10240x128xf32, #tpu.memory_space<vmem_shared>> -> memref<10240x128xf32, #tpu.memory_space<vmem_shared>>
        tpu.enqueue_indirect_dma source(%arg17 : memref<128x128xf32, #tpu.memory_space<vmem>>) target(%dma_start3A_239 : memref<10240x128xf32, #tpu.memory_space<vmem_shared>>) offsets(%arg15 : memref<128xi32, #tpu.memory_space<vmem>>) semaphore(%run_scoped3A : memref<!tpu.dma_semaphore, #tpu.memory_space<semaphore_mem>>) {add = true}
        %dma_wait3A_240 = arith.constant 0 : i32
        %dma_wait3A_241 = arith.constant 0 : i32
        %dma_wait3A_242 = tpu.memref_slice %arg19[%dma_wait3A_240, %dma_wait3A_241] : memref<10240x128xf32, #tpu.memory_space<vmem_shared>> -> memref<10240x128xf32, #tpu.memory_space<vmem_shared>>
        tpu.wait_indirect_dma semaphore(%run_scoped3A : memref<!tpu.dma_semaphore, #tpu.memory_space<semaphore_mem>>) src(%arg17 : memref<128x128xf32, #tpu.memory_space<vmem>>) dst(%dma_wait3A_242 : memref<10240x128xf32, #tpu.memory_space<vmem_shared>>)
        tpu.yield
      }) : () -> ()
      %add3A_202 = arith.constant 4 : i32
      %add3A_203 = arith.addi %add3A_198, %add3A_202 : i32
      %lt3A_204 = arith.constant 80 : i32
      %lt3A_205 = arith.cmpi slt, %add3A_203, %lt3A_204 : i32
      %convert_element_type3A_206 = arith.extui %lt3A_205 : i1 to i32
      %cond3A_207 = arith.constant 0 : i32
      %cond3A_208 = arith.cmpi ne, %convert_element_type3A_206, %cond3A_207 : i32
      scf.if %cond3A_208 {
        %add3A_237 = arith.constant 4 : i32
        %add3A_238 = arith.addi %add3A_198, %add3A_237 : i32
        %mul3A_239 = arith.constant 80 : i32
        %mul3A_240 = arith.muli %arg1, %mul3A_239 : i32
        %add3A_241 = arith.addi %mul3A_240, %add3A_238 : i32
        %dma_start3A_242 = arith.constant 0 : i32
        %dma_start3A_243 = tpu.memref_slice %arg4[%add3A_241, %dma_start3A_242] : memref<1280x128xi32, #tpu.memory_space<hbm>> -> memref<1x128xi32, #tpu.memory_space<hbm>>
        %dma_start3A_244 = tpu.memref_squeeze %dma_start3A_243 : memref<1x128xi32, #tpu.memory_space<hbm>> -> memref<128xi32, #tpu.memory_space<hbm>>
        %dma_start3A_245 = arith.constant 0 : i32
        %dma_start3A_246 = tpu.memref_slice %arg4[%add3A_241, %dma_start3A_245] : memref<1280x128xi32, #tpu.memory_space<hbm>> -> memref<1x128xi32, #tpu.memory_space<hbm>>
        %dma_start3A_247 = tpu.memref_squeeze %dma_start3A_246 : memref<1x128xi32, #tpu.memory_space<hbm>> -> memref<128xi32, #tpu.memory_space<hbm>>
        tpu.enqueue_dma source(%dma_start3A_247 : memref<128xi32, #tpu.memory_space<hbm>>) target(%arg11 : memref<128xi32, #tpu.memory_space<vmem>>) target_semaphore(%arg22 : memref<!tpu.dma_semaphore, #tpu.memory_space<semaphore_mem>>)
        %mul3A_248 = arith.constant 80 : i32
        %mul3A_249 = arith.muli %arg1, %mul3A_248 : i32
        %add3A_250 = arith.addi %mul3A_249, %add3A_238 : i32
        %dma_start3A_251 = arith.constant 0 : i32
        %dma_start3A_252 = tpu.memref_slice %arg5[%add3A_250, %dma_start3A_251] : memref<1280x128xi32, #tpu.memory_space<hbm>> -> memref<1x128xi32, #tpu.memory_space<hbm>>
        %dma_start3A_253 = tpu.memref_squeeze %dma_start3A_252 : memref<1x128xi32, #tpu.memory_space<hbm>> -> memref<128xi32, #tpu.memory_space<hbm>>
        %dma_start3A_254 = arith.constant 0 : i32
        %dma_start3A_255 = tpu.memref_slice %arg5[%add3A_250, %dma_start3A_254] : memref<1280x128xi32, #tpu.memory_space<hbm>> -> memref<1x128xi32, #tpu.memory_space<hbm>>
        %dma_start3A_256 = tpu.memref_squeeze %dma_start3A_255 : memref<1x128xi32, #tpu.memory_space<hbm>> -> memref<128xi32, #tpu.memory_space<hbm>>
        tpu.enqueue_dma source(%dma_start3A_256 : memref<128xi32, #tpu.memory_space<hbm>>) target(%arg15 : memref<128xi32, #tpu.memory_space<vmem>>) target_semaphore(%arg22 : memref<!tpu.dma_semaphore, #tpu.memory_space<semaphore_mem>>)
      } else {
      }
      %add3A_209 = arith.constant 2 : i32
      %add3A_210 = arith.addi %add3A_198, %add3A_209 : i32
      %lt3A_211 = arith.constant 80 : i32
      %lt3A_212 = arith.cmpi slt, %add3A_210, %lt3A_211 : i32
      %convert_element_type3A_213 = arith.extui %lt3A_212 : i1 to i32
      %cond3A_214 = arith.constant 0 : i32
      %cond3A_215 = arith.cmpi ne, %convert_element_type3A_213, %cond3A_214 : i32
      scf.if %cond3A_215 {
        %add3A_237 = arith.constant 2 : i32
        %add3A_238 = arith.addi %add3A_198, %add3A_237 : i32
        %mul3A_239 = arith.constant 80 : i32
        %mul3A_240 = arith.muli %arg1, %mul3A_239 : i32
        %add3A_241 = arith.addi %mul3A_240, %add3A_238 : i32
        %dma_wait3A_242 = arith.constant 0 : i32
        %dma_wait3A_243 = tpu.memref_slice %arg4[%add3A_241, %dma_wait3A_242] : memref<1280x128xi32, #tpu.memory_space<hbm>> -> memref<1x128xi32, #tpu.memory_space<hbm>>
        %dma_wait3A_244 = tpu.memref_squeeze %dma_wait3A_243 : memref<1x128xi32, #tpu.memory_space<hbm>> -> memref<128xi32, #tpu.memory_space<hbm>>
        %dma_wait3A_245 = arith.constant 0 : i32
        %dma_wait3A_246 = tpu.memref_slice %arg4[%add3A_241, %dma_wait3A_245] : memref<1280x128xi32, #tpu.memory_space<hbm>> -> memref<1x128xi32, #tpu.memory_space<hbm>>
        %dma_wait3A_247 = tpu.memref_squeeze %dma_wait3A_246 : memref<1x128xi32, #tpu.memory_space<hbm>> -> memref<128xi32, #tpu.memory_space<hbm>>
        tpu.wait_dma2 semaphore(%arg20 : memref<!tpu.dma_semaphore, #tpu.memory_space<semaphore_mem>>) src(%dma_wait3A_247 : memref<128xi32, #tpu.memory_space<hbm>>) dst(%arg9 : memref<128xi32, #tpu.memory_space<vmem>>)
        %mul3A_248 = arith.constant 80 : i32
        %mul3A_249 = arith.muli %arg1, %mul3A_248 : i32
        %add3A_250 = arith.addi %mul3A_249, %add3A_238 : i32
        %dma_wait3A_251 = arith.constant 0 : i32
        %dma_wait3A_252 = tpu.memref_slice %arg5[%add3A_250, %dma_wait3A_251] : memref<1280x128xi32, #tpu.memory_space<hbm>> -> memref<1x128xi32, #tpu.memory_space<hbm>>
        %dma_wait3A_253 = tpu.memref_squeeze %dma_wait3A_252 : memref<1x128xi32, #tpu.memory_space<hbm>> -> memref<128xi32, #tpu.memory_space<hbm>>
        %dma_wait3A_254 = arith.constant 0 : i32
        %dma_wait3A_255 = tpu.memref_slice %arg5[%add3A_250, %dma_wait3A_254] : memref<1280x128xi32, #tpu.memory_space<hbm>> -> memref<1x128xi32, #tpu.memory_space<hbm>>
        %dma_wait3A_256 = tpu.memref_squeeze %dma_wait3A_255 : memref<1x128xi32, #tpu.memory_space<hbm>> -> memref<128xi32, #tpu.memory_space<hbm>>
        tpu.wait_dma2 semaphore(%arg20 : memref<!tpu.dma_semaphore, #tpu.memory_space<semaphore_mem>>) src(%dma_wait3A_256 : memref<128xi32, #tpu.memory_space<hbm>>) dst(%arg13 : memref<128xi32, #tpu.memory_space<vmem>>)
        %eq3A_257 = arith.constant 0 : i32
        %eq3A_258 = arith.cmpi eq, %arg0, %eq3A_257 : i32
        %convert_element_type3A_259 = arith.extui %eq3A_258 : i1 to i32
        %cond3A_260 = arith.constant 0 : i32
        %cond3A_261 = arith.cmpi ne, %convert_element_type3A_259, %cond3A_260 : i32
        scf.if %cond3A_261 {
          %dma_start3A_267 = arith.constant 0 : i32
          %dma_start3A_268 = arith.constant 0 : i32
          %dma_start3A_269 = tpu.memref_slice %arg2[%dma_start3A_267, %dma_start3A_268] : memref<10000x128xf32, #tpu.memory_space<hbm>> -> memref<10000x128xf32, #tpu.memory_space<hbm>>
          tpu.enqueue_indirect_dma source(%dma_start3A_269 : memref<10000x128xf32, #tpu.memory_space<hbm>>) target(%arg17 : memref<128x128xf32, #tpu.memory_space<vmem>>) offsets(%arg9 : memref<128xi32, #tpu.memory_space<vmem>>) semaphore(%arg24 : memref<!tpu.dma_semaphore, #tpu.memory_space<semaphore_mem>>)
        } else {
        }
        %eq3A_262 = arith.constant 1 : i32
        %eq3A_263 = arith.cmpi eq, %arg0, %eq3A_262 : i32
        %convert_element_type3A_264 = arith.extui %eq3A_263 : i1 to i32
        %cond3A_265 = arith.constant 0 : i32
        %cond3A_266 = arith.cmpi ne, %convert_element_type3A_264, %cond3A_265 : i32
        scf.if %cond3A_266 {
          %dma_start3A_267 = arith.constant 0 : i32
          %dma_start3A_268 = arith.constant 0 : i32
          %dma_start3A_269 = tpu.memref_slice %arg3[%dma_start3A_267, %dma_start3A_268] : memref<10000x128xf32, #tpu.memory_space<hbm>> -> memref<10000x128xf32, #tpu.memory_space<hbm>>
          tpu.enqueue_indirect_dma source(%dma_start3A_269 : memref<10000x128xf32, #tpu.memory_space<hbm>>) target(%arg17 : memref<128x128xf32, #tpu.memory_space<vmem>>) offsets(%arg9 : memref<128xi32, #tpu.memory_space<vmem>>) semaphore(%arg24 : memref<!tpu.dma_semaphore, #tpu.memory_space<semaphore_mem>>)
        } else {
        }
      } else {
      }
      %mul3A_216 = arith.constant 4 : i32
      %mul3A_217 = arith.muli %scan3A_153, %mul3A_216 : i32
      %add3A_218 = arith.constant 3 : i32
      %add3A_219 = arith.addi %mul3A_217, %add3A_218 : i32
      %dma_wait3A_220 = arith.constant 0 : i32
      %dma_wait3A_221 = arith.constant 0 : i32
      %dma_wait3A_222 = tpu.memref_slice %arg2[%dma_wait3A_220, %dma_wait3A_221] : memref<10000x128xf32, #tpu.memory_space<hbm>> -> memref<10000x128xf32, #tpu.memory_space<hbm>>
      tpu.wait_indirect_dma semaphore(%arg25 : memref<!tpu.dma_semaphore, #tpu.memory_space<semaphore_mem>>) src(%dma_wait3A_222 : memref<10000x128xf32, #tpu.memory_space<hbm>>) dst(%arg18 : memref<128x128xf32, #tpu.memory_space<vmem>>)
      "tpu.region"() ({
        %run_scoped3A = tpu.sem_alloc : memref<!tpu.dma_semaphore, #tpu.memory_space<semaphore_mem>>
        %dma_start3A_237 = arith.constant 0 : i32
        %dma_start3A_238 = arith.constant 0 : i32
        %dma_start3A_239 = tpu.memref_slice %arg19[%dma_start3A_237, %dma_start3A_238] : memref<10240x128xf32, #tpu.memory_space<vmem_shared>> -> memref<10240x128xf32, #tpu.memory_space<vmem_shared>>
        tpu.enqueue_indirect_dma source(%arg18 : memref<128x128xf32, #tpu.memory_space<vmem>>) target(%dma_start3A_239 : memref<10240x128xf32, #tpu.memory_space<vmem_shared>>) offsets(%arg16 : memref<128xi32, #tpu.memory_space<vmem>>) semaphore(%run_scoped3A : memref<!tpu.dma_semaphore, #tpu.memory_space<semaphore_mem>>) {add = true}
        %dma_wait3A_240 = arith.constant 0 : i32
        %dma_wait3A_241 = arith.constant 0 : i32
        %dma_wait3A_242 = tpu.memref_slice %arg19[%dma_wait3A_240, %dma_wait3A_241] : memref<10240x128xf32, #tpu.memory_space<vmem_shared>> -> memref<10240x128xf32, #tpu.memory_space<vmem_shared>>
        tpu.wait_indirect_dma semaphore(%run_scoped3A : memref<!tpu.dma_semaphore, #tpu.memory_space<semaphore_mem>>) src(%arg18 : memref<128x128xf32, #tpu.memory_space<vmem>>) dst(%dma_wait3A_242 : memref<10240x128xf32, #tpu.memory_space<vmem_shared>>)
        tpu.yield
      }) : () -> ()
      %add3A_223 = arith.constant 4 : i32
      %add3A_224 = arith.addi %add3A_219, %add3A_223 : i32
      %lt3A_225 = arith.constant 80 : i32
      %lt3A_226 = arith.cmpi slt, %add3A_224, %lt3A_225 : i32
      %convert_element_type3A_227 = arith.extui %lt3A_226 : i1 to i32
      %cond3A_228 = arith.constant 0 : i32
      %cond3A_229 = arith.cmpi ne, %convert_element_type3A_227, %cond3A_228 : i32
      scf.if %cond3A_229 {
        %add3A_237 = arith.constant 4 : i32
        %add3A_238 = arith.addi %add3A_219, %add3A_237 : i32
        %mul3A_239 = arith.constant 80 : i32
        %mul3A_240 = arith.muli %arg1, %mul3A_239 : i32
        %add3A_241 = arith.addi %mul3A_240, %add3A_238 : i32
        %dma_start3A_242 = arith.constant 0 : i32
        %dma_start3A_243 = tpu.memref_slice %arg4[%add3A_241, %dma_start3A_242] : memref<1280x128xi32, #tpu.memory_space<hbm>> -> memref<1x128xi32, #tpu.memory_space<hbm>>
        %dma_start3A_244 = tpu.memref_squeeze %dma_start3A_243 : memref<1x128xi32, #tpu.memory_space<hbm>> -> memref<128xi32, #tpu.memory_space<hbm>>
        %dma_start3A_245 = arith.constant 0 : i32
        %dma_start3A_246 = tpu.memref_slice %arg4[%add3A_241, %dma_start3A_245] : memref<1280x128xi32, #tpu.memory_space<hbm>> -> memref<1x128xi32, #tpu.memory_space<hbm>>
        %dma_start3A_247 = tpu.memref_squeeze %dma_start3A_246 : memref<1x128xi32, #tpu.memory_space<hbm>> -> memref<128xi32, #tpu.memory_space<hbm>>
        tpu.enqueue_dma source(%dma_start3A_247 : memref<128xi32, #tpu.memory_space<hbm>>) target(%arg12 : memref<128xi32, #tpu.memory_space<vmem>>) target_semaphore(%arg23 : memref<!tpu.dma_semaphore, #tpu.memory_space<semaphore_mem>>)
        %mul3A_248 = arith.constant 80 : i32
        %mul3A_249 = arith.muli %arg1, %mul3A_248 : i32
        %add3A_250 = arith.addi %mul3A_249, %add3A_238 : i32
        %dma_start3A_251 = arith.constant 0 : i32
        %dma_start3A_252 = tpu.memref_slice %arg5[%add3A_250, %dma_start3A_251] : memref<1280x128xi32, #tpu.memory_space<hbm>> -> memref<1x128xi32, #tpu.memory_space<hbm>>
        %dma_start3A_253 = tpu.memref_squeeze %dma_start3A_252 : memref<1x128xi32, #tpu.memory_space<hbm>> -> memref<128xi32, #tpu.memory_space<hbm>>
        %dma_start3A_254 = arith.constant 0 : i32
        %dma_start3A_255 = tpu.memref_slice %arg5[%add3A_250, %dma_start3A_254] : memref<1280x128xi32, #tpu.memory_space<hbm>> -> memref<1x128xi32, #tpu.memory_space<hbm>>
        %dma_start3A_256 = tpu.memref_squeeze %dma_start3A_255 : memref<1x128xi32, #tpu.memory_space<hbm>> -> memref<128xi32, #tpu.memory_space<hbm>>
        tpu.enqueue_dma source(%dma_start3A_256 : memref<128xi32, #tpu.memory_space<hbm>>) target(%arg16 : memref<128xi32, #tpu.memory_space<vmem>>) target_semaphore(%arg23 : memref<!tpu.dma_semaphore, #tpu.memory_space<semaphore_mem>>)
      } else {
      }
      %add3A_230 = arith.constant 2 : i32
      %add3A_231 = arith.addi %add3A_219, %add3A_230 : i32
      %lt3A_232 = arith.constant 80 : i32
      %lt3A_233 = arith.cmpi slt, %add3A_231, %lt3A_232 : i32
      %convert_element_type3A_234 = arith.extui %lt3A_233 : i1 to i32
      %cond3A_235 = arith.constant 0 : i32
      %cond3A_236 = arith.cmpi ne, %convert_element_type3A_234, %cond3A_235 : i32
      scf.if %cond3A_236 {
        %add3A_237 = arith.constant 2 : i32
        %add3A_238 = arith.addi %add3A_219, %add3A_237 : i32
        %mul3A_239 = arith.constant 80 : i32
        %mul3A_240 = arith.muli %arg1, %mul3A_239 : i32
        %add3A_241 = arith.addi %mul3A_240, %add3A_238 : i32
        %dma_wait3A_242 = arith.constant 0 : i32
        %dma_wait3A_243 = tpu.memref_slice %arg4[%add3A_241, %dma_wait3A_242] : memref<1280x128xi32, #tpu.memory_space<hbm>> -> memref<1x128xi32, #tpu.memory_space<hbm>>
        %dma_wait3A_244 = tpu.memref_squeeze %dma_wait3A_243 : memref<1x128xi32, #tpu.memory_space<hbm>> -> memref<128xi32, #tpu.memory_space<hbm>>
        %dma_wait3A_245 = arith.constant 0 : i32
        %dma_wait3A_246 = tpu.memref_slice %arg4[%add3A_241, %dma_wait3A_245] : memref<1280x128xi32, #tpu.memory_space<hbm>> -> memref<1x128xi32, #tpu.memory_space<hbm>>
        %dma_wait3A_247 = tpu.memref_squeeze %dma_wait3A_246 : memref<1x128xi32, #tpu.memory_space<hbm>> -> memref<128xi32, #tpu.memory_space<hbm>>
        tpu.wait_dma2 semaphore(%arg21 : memref<!tpu.dma_semaphore, #tpu.memory_space<semaphore_mem>>) src(%dma_wait3A_247 : memref<128xi32, #tpu.memory_space<hbm>>) dst(%arg10 : memref<128xi32, #tpu.memory_space<vmem>>)
        %mul3A_248 = arith.constant 80 : i32
        %mul3A_249 = arith.muli %arg1, %mul3A_248 : i32
        %add3A_250 = arith.addi %mul3A_249, %add3A_238 : i32
        %dma_wait3A_251 = arith.constant 0 : i32
        %dma_wait3A_252 = tpu.memref_slice %arg5[%add3A_250, %dma_wait3A_251] : memref<1280x128xi32, #tpu.memory_space<hbm>> -> memref<1x128xi32, #tpu.memory_space<hbm>>
        %dma_wait3A_253 = tpu.memref_squeeze %dma_wait3A_252 : memref<1x128xi32, #tpu.memory_space<hbm>> -> memref<128xi32, #tpu.memory_space<hbm>>
        %dma_wait3A_254 = arith.constant 0 : i32
        %dma_wait3A_255 = tpu.memref_slice %arg5[%add3A_250, %dma_wait3A_254] : memref<1280x128xi32, #tpu.memory_space<hbm>> -> memref<1x128xi32, #tpu.memory_space<hbm>>
        %dma_wait3A_256 = tpu.memref_squeeze %dma_wait3A_255 : memref<1x128xi32, #tpu.memory_space<hbm>> -> memref<128xi32, #tpu.memory_space<hbm>>
        tpu.wait_dma2 semaphore(%arg21 : memref<!tpu.dma_semaphore, #tpu.memory_space<semaphore_mem>>) src(%dma_wait3A_256 : memref<128xi32, #tpu.memory_space<hbm>>) dst(%arg14 : memref<128xi32, #tpu.memory_space<vmem>>)
        %eq3A_257 = arith.constant 0 : i32
        %eq3A_258 = arith.cmpi eq, %arg0, %eq3A_257 : i32
        %convert_element_type3A_259 = arith.extui %eq3A_258 : i1 to i32
        %cond3A_260 = arith.constant 0 : i32
        %cond3A_261 = arith.cmpi ne, %convert_element_type3A_259, %cond3A_260 : i32
        scf.if %cond3A_261 {
          %dma_start3A_267 = arith.constant 0 : i32
          %dma_start3A_268 = arith.constant 0 : i32
          %dma_start3A_269 = tpu.memref_slice %arg2[%dma_start3A_267, %dma_start3A_268] : memref<10000x128xf32, #tpu.memory_space<hbm>> -> memref<10000x128xf32, #tpu.memory_space<hbm>>
          tpu.enqueue_indirect_dma source(%dma_start3A_269 : memref<10000x128xf32, #tpu.memory_space<hbm>>) target(%arg18 : memref<128x128xf32, #tpu.memory_space<vmem>>) offsets(%arg10 : memref<128xi32, #tpu.memory_space<vmem>>) semaphore(%arg25 : memref<!tpu.dma_semaphore, #tpu.memory_space<semaphore_mem>>)
        } else {
        }
        %eq3A_262 = arith.constant 1 : i32
        %eq3A_263 = arith.cmpi eq, %arg0, %eq3A_262 : i32
        %convert_element_type3A_264 = arith.extui %eq3A_263 : i1 to i32
        %cond3A_265 = arith.constant 0 : i32
        %cond3A_266 = arith.cmpi ne, %convert_element_type3A_264, %cond3A_265 : i32
        scf.if %cond3A_266 {
          %dma_start3A_267 = arith.constant 0 : i32
          %dma_start3A_268 = arith.constant 0 : i32
          %dma_start3A_269 = tpu.memref_slice %arg3[%dma_start3A_267, %dma_start3A_268] : memref<10000x128xf32, #tpu.memory_space<hbm>> -> memref<10000x128xf32, #tpu.memory_space<hbm>>
          tpu.enqueue_indirect_dma source(%dma_start3A_269 : memref<10000x128xf32, #tpu.memory_space<hbm>>) target(%arg18 : memref<128x128xf32, #tpu.memory_space<vmem>>) offsets(%arg10 : memref<128xi32, #tpu.memory_space<vmem>>) semaphore(%arg25 : memref<!tpu.dma_semaphore, #tpu.memory_space<semaphore_mem>>)
        } else {
        }
      } else {
      }
    }
    %scan3A_141 = arith.constant 20 : i32
    %barrier3A_142 = arith.constant 0 : index
    tpu.barrier barrier_id(%barrier3A_142)
    %eq3A_143 = arith.constant 0 : i32
    %eq3A_144 = arith.cmpi eq, %arg0, %eq3A_143 : i32
    %convert_element_type3A_145 = arith.extui %eq3A_144 : i1 to i32
    %cond3A_146 = arith.constant 0 : i32
    %cond3A_147 = arith.cmpi ne, %convert_element_type3A_145, %cond3A_146 : i32
    scf.if %cond3A_147 {
      %mul3A_153 = arith.constant 640 : i32
      %mul3A_154 = arith.muli %arg1, %mul3A_153 : i32
      %mul3A_155 = arith.constant 640 : i32
      %mul3A_156 = arith.muli %arg1, %mul3A_155 : i32
      "tpu.region"() ({
        %run_scoped3A = tpu.sem_alloc : memref<!tpu.dma_semaphore, #tpu.memory_space<semaphore_mem>>
        %dma_start3A_157 = arith.constant 0 : i32
        %dma_start3A_158 = tpu.memref_slice %arg7[%mul3A_156, %dma_start3A_157] : memref<10240x128xf32, #tpu.memory_space<hbm>> -> memref<640x128xf32, #tpu.memory_space<hbm>>
        %dma_start3A_159 = arith.constant 0 : i32
        %dma_start3A_160 = tpu.memref_slice %arg19[%mul3A_154, %dma_start3A_159] : memref<10240x128xf32, #tpu.memory_space<vmem_shared>> -> memref<640x128xf32, #tpu.memory_space<vmem_shared>>
        tpu.enqueue_dma source(%dma_start3A_160 : memref<640x128xf32, #tpu.memory_space<vmem_shared>>) target(%dma_start3A_158 : memref<640x128xf32, #tpu.memory_space<hbm>>) target_semaphore(%run_scoped3A : memref<!tpu.dma_semaphore, #tpu.memory_space<semaphore_mem>>)
        %dma_wait3A_161 = arith.constant 0 : i32
        %dma_wait3A_162 = tpu.memref_slice %arg7[%mul3A_156, %dma_wait3A_161] : memref<10240x128xf32, #tpu.memory_space<hbm>> -> memref<640x128xf32, #tpu.memory_space<hbm>>
        %dma_wait3A_163 = arith.constant 0 : i32
        %dma_wait3A_164 = tpu.memref_slice %arg19[%mul3A_154, %dma_wait3A_163] : memref<10240x128xf32, #tpu.memory_space<vmem_shared>> -> memref<640x128xf32, #tpu.memory_space<vmem_shared>>
        tpu.wait_dma2 semaphore(%run_scoped3A : memref<!tpu.dma_semaphore, #tpu.memory_space<semaphore_mem>>) src(%dma_wait3A_164 : memref<640x128xf32, #tpu.memory_space<vmem_shared>>) dst(%dma_wait3A_162 : memref<640x128xf32, #tpu.memory_space<hbm>>)
        tpu.yield
      }) : () -> ()
    } else {
    }
    %eq3A_148 = arith.constant 1 : i32
    %eq3A_149 = arith.cmpi eq, %arg0, %eq3A_148 : i32
    %convert_element_type3A_150 = arith.extui %eq3A_149 : i1 to i32
    %cond3A_151 = arith.constant 0 : i32
    %cond3A_152 = arith.cmpi ne, %convert_element_type3A_150, %cond3A_151 : i32
    scf.if %cond3A_152 {
      %mul3A_153 = arith.constant 640 : i32
      %mul3A_154 = arith.muli %arg1, %mul3A_153 : i32
      %mul3A_155 = arith.constant 640 : i32
      %mul3A_156 = arith.muli %arg1, %mul3A_155 : i32
      "tpu.region"() ({
        %run_scoped3A = tpu.sem_alloc : memref<!tpu.dma_semaphore, #tpu.memory_space<semaphore_mem>>
        %dma_start3A_157 = arith.constant 0 : i32
        %dma_start3A_158 = tpu.memref_slice %arg8[%mul3A_156, %dma_start3A_157] : memref<10240x128xf32, #tpu.memory_space<hbm>> -> memref<640x128xf32, #tpu.memory_space<hbm>>
        %dma_start3A_159 = arith.constant 0 : i32
        %dma_start3A_160 = tpu.memref_slice %arg19[%mul3A_154, %dma_start3A_159] : memref<10240x128xf32, #tpu.memory_space<vmem_shared>> -> memref<640x128xf32, #tpu.memory_space<vmem_shared>>
        tpu.enqueue_dma source(%dma_start3A_160 : memref<640x128xf32, #tpu.memory_space<vmem_shared>>) target(%dma_start3A_158 : memref<640x128xf32, #tpu.memory_space<hbm>>) target_semaphore(%run_scoped3A : memref<!tpu.dma_semaphore, #tpu.memory_space<semaphore_mem>>)
        %dma_wait3A_161 = arith.constant 0 : i32
        %dma_wait3A_162 = tpu.memref_slice %arg8[%mul3A_156, %dma_wait3A_161] : memref<10240x128xf32, #tpu.memory_space<hbm>> -> memref<640x128xf32, #tpu.memory_space<hbm>>
        %dma_wait3A_163 = arith.constant 0 : i32
        %dma_wait3A_164 = tpu.memref_slice %arg19[%mul3A_154, %dma_wait3A_163] : memref<10240x128xf32, #tpu.memory_space<vmem_shared>> -> memref<640x128xf32, #tpu.memory_space<vmem_shared>>
        tpu.wait_dma2 semaphore(%run_scoped3A : memref<!tpu.dma_semaphore, #tpu.memory_space<semaphore_mem>>) src(%dma_wait3A_164 : memref<640x128xf32, #tpu.memory_space<vmem_shared>>) dst(%dma_wait3A_162 : memref<640x128xf32, #tpu.memory_space<hbm>>)
        tpu.yield
      }) : () -> ()
    } else {
    }
    return
  }
}

module attributes {stable_mosaic.version = 14 : i64} {
  func.func @_prep_body(%arg0: i32, %arg1: memref<1024x256xf32, #tpu.memory_space<vmem>>, %arg2: memref<256x256xf32, #tpu.memory_space<vmem>>, %arg3: memref<2x1024xf32, #tpu.memory_space<vmem>>, %arg4: memref<1024x128xf32, #tpu.memory_space<vmem>>, %arg5: memref<1024x128xf32, #tpu.memory_space<vmem>>) attributes {dimension_semantics = [#tpu.dimension_semantics<arbitrary>], iteration_bounds = array<i64: 10>, scalar_prefetch = 0 : i64, scratch_operands = 0 : i64, tpu.core_type = #tpu.core_type<tc>, window_params = [{transform_indices = @transform_0, window_bounds = array<i64: 1024, 256>}, {pipeline_mode = #tpu.pipeline_mode<synchronous>, transform_indices = @transform_1, window_bounds = array<i64: 256, 256>}, {transform_indices = @transform_2, window_bounds = array<i64: 2, 1024>}, {transform_indices = @transform_3, window_bounds = array<i64: 1024, 128>}, {transform_indices = @transform_4, window_bounds = array<i64: 1024, 128>}]} {
    %get3A = arith.constant 0 : index
    %get3A_0 = arith.constant 0 : index
    %get3A_1 = vector.load %arg1[%get3A, %get3A_0] : memref<1024x256xf32, #tpu.memory_space<vmem>>, vector<1024x256xf32>
    %get3A_2 = arith.constant 0 : index
    %get3A_3 = arith.constant 0 : index
    %get3A_4 = vector.load %arg2[%get3A_2, %get3A_3] : memref<256x256xf32, #tpu.memory_space<vmem>>, vector<256x256xf32>
    %dot_general3A = arith.constant dense<0.000000e+00> : vector<1024x256xf32>
    %dot_general3A_5 = tpu.matmul %get3A_1, %get3A_4, %dot_general3A {dimension_numbers = #tpu.dot_dimension_numbers<[1], [0], [0], [1], [0, 0, 1, 1], [], []>, transpose_lhs_hint = false} : vector<1024x256xf32>, vector<256x256xf32>, vector<1024x256xf32> -> vector<1024x256xf32>
    %get3A_6 = arith.constant 0 : index
    %get3A_7 = arith.constant 0 : index
    %get3A_8 = vector.load %arg3[%get3A_6, %get3A_7] : memref<2x1024xf32, #tpu.memory_space<vmem>>, vector<1x1024xf32>
    %get3A_9 = vector.shape_cast %get3A_8 : vector<1x1024xf32> to vector<1024xf32>
    %get3A_10 = arith.constant 1 : index
    %get3A_11 = arith.constant 0 : index
    %get3A_12 = vector.load %arg3[%get3A_10, %get3A_11] : memref<2x1024xf32, #tpu.memory_space<vmem>>, vector<1x1024xf32>
    %get3A_13 = vector.shape_cast %get3A_12 : vector<1x1024xf32> to vector<1024xf32>
    %add3A = arith.addf %get3A_9, %get3A_13 : vector<1024xf32>
    %max3A = arith.constant 1.000000e+00 : f32
    %max3A_14 = vector.broadcast %max3A : f32 to vector<1024xf32>
    %max3A_15 = arith.maximumf %add3A, %max3A_14 : vector<1024xf32>
    %rsqrt3A = math.rsqrt %max3A_15 : vector<1024xf32>
    %broadcast_in_dim3A = vector.shape_cast %rsqrt3A : vector<1024xf32> to vector<1024x1xf32>
    %mul3A = vector.broadcast %broadcast_in_dim3A : vector<1024x1xf32> to vector<1024x256xf32>
    %mul3A_16 = arith.mulf %dot_general3A_5, %mul3A : vector<1024x256xf32>
    %slice3A = vector.extract_strided_slice %mul3A_16 {offsets = [0, 0], sizes = [1024, 128], strides = [1, 1]} : vector<1024x256xf32> to vector<1024x128xf32>
    %swap3A = arith.constant 0 : index
    %swap3A_17 = arith.constant 0 : index
    %swap3A_18 = vector.load %arg4[%swap3A, %swap3A_17] : memref<1024x128xf32, #tpu.memory_space<vmem>>, vector<1024x128xf32>
    tpu.vector_store %arg4[%swap3A, %swap3A_17], %slice3A {strides = array<i32>} : memref<1024x128xf32, #tpu.memory_space<vmem>>, vector<1024x128xf32>,
    %slice3A_19 = vector.extract_strided_slice %mul3A_16 {offsets = [0, 128], sizes = [1024, 128], strides = [1, 1]} : vector<1024x256xf32> to vector<1024x128xf32>
    %swap3A_20 = arith.constant 0 : index
    %swap3A_21 = arith.constant 0 : index
    %swap3A_22 = vector.load %arg5[%swap3A_20, %swap3A_21] : memref<1024x128xf32, #tpu.memory_space<vmem>>, vector<1024x128xf32>
    tpu.vector_store %arg5[%swap3A_20, %swap3A_21], %slice3A_19 {strides = array<i32>} : memref<1024x128xf32, #tpu.memory_space<vmem>>, vector<1024x128xf32>,
    return
  }
  func.func @transform_0(%arg0: i32) -> (i32, i32) {
    %c0_i32 = arith.constant 0 : i32
    %c0_i32_0 = arith.constant 0 : i32
    return %arg0, %c0_i32 : i32, i32
  }
  func.func @transform_1(%arg0: i32) -> (i32, i32) {
    %c0_i32 = arith.constant 0 : i32
    %c0_i32_0 = arith.constant 0 : i32
    %c0_i32_1 = arith.constant 0 : i32
    return %c0_i32, %c0_i32_0 : i32, i32
  }
  func.func @transform_2(%arg0: i32) -> (i32, i32) {
    %c0_i32 = arith.constant 0 : i32
    %c0_i32_0 = arith.constant 0 : i32
    return %c0_i32, %arg0 : i32, i32
  }
  func.func @transform_3(%arg0: i32) -> (i32, i32) {
    %c0_i32 = arith.constant 0 : i32
    %c0_i32_0 = arith.constant 0 : i32
    return %arg0, %c0_i32 : i32, i32
  }
  func.func @transform_4(%arg0: i32) -> (i32, i32) {
    %c0_i32 = arith.constant 0 : i32
    %c0_i32_0 = arith.constant 0 : i32
    return %arg0, %c0_i32 : i32, i32
  }
}

module attributes {stable_mosaic.version = 14 : i64} {
  func.func @_final_body(%arg0: i32, %arg1: memref<1024x128xf32, #tpu.memory_space<vmem>>, %arg2: memref<1024x128xf32, #tpu.memory_space<vmem>>, %arg3: memref<2x1024xf32, #tpu.memory_space<vmem>>, %arg4: memref<1x256xf32, #tpu.memory_space<vmem>>, %arg5: memref<1024x256xf32, #tpu.memory_space<vmem>>) attributes {dimension_semantics = [#tpu.dimension_semantics<arbitrary>], iteration_bounds = array<i64: 10>, scalar_prefetch = 0 : i64, scratch_operands = 0 : i64, tpu.core_type = #tpu.core_type<tc>, window_params = [{transform_indices = @transform_0, window_bounds = array<i64: 1024, 128>}, {transform_indices = @transform_1, window_bounds = array<i64: 1024, 128>}, {transform_indices = @transform_2, window_bounds = array<i64: 2, 1024>}, {pipeline_mode = #tpu.pipeline_mode<synchronous>, transform_indices = @transform_3, window_bounds = array<i64: 1, 256>}, {transform_indices = @transform_4, window_bounds = array<i64: 1024, 256>}]} {
    %get3A = arith.constant 0 : index
    %get3A_0 = arith.constant 0 : index
    %get3A_1 = vector.load %arg1[%get3A, %get3A_0] : memref<1024x128xf32, #tpu.memory_space<vmem>>, vector<1024x128xf32>
    %get3A_2 = arith.constant 0 : index
    %get3A_3 = arith.constant 0 : index
    %get3A_4 = vector.load %arg2[%get3A_2, %get3A_3] : memref<1024x128xf32, #tpu.memory_space<vmem>>, vector<1024x128xf32>
    %concatenate3A = tpu.concatenate %get3A_1, %get3A_4 in 1 : vector<1024x128xf32>, vector<1024x128xf32> -> vector<1024x256xf32>
    %get3A_5 = arith.constant 0 : index
    %get3A_6 = arith.constant 0 : index
    %get3A_7 = vector.load %arg3[%get3A_5, %get3A_6] : memref<2x1024xf32, #tpu.memory_space<vmem>>, vector<1x1024xf32>
    %get3A_8 = vector.shape_cast %get3A_7 : vector<1x1024xf32> to vector<1024xf32>
    %get3A_9 = arith.constant 1 : index
    %get3A_10 = arith.constant 0 : index
    %get3A_11 = vector.load %arg3[%get3A_9, %get3A_10] : memref<2x1024xf32, #tpu.memory_space<vmem>>, vector<1x1024xf32>
    %get3A_12 = vector.shape_cast %get3A_11 : vector<1x1024xf32> to vector<1024xf32>
    %add3A = arith.addf %get3A_8, %get3A_12 : vector<1024xf32>
    %max3A = arith.constant 1.000000e+00 : f32
    %max3A_13 = vector.broadcast %max3A : f32 to vector<1024xf32>
    %max3A_14 = arith.maximumf %add3A, %max3A_13 : vector<1024xf32>
    %rsqrt3A = math.rsqrt %max3A_14 : vector<1024xf32>
    %broadcast_in_dim3A = vector.shape_cast %rsqrt3A : vector<1024xf32> to vector<1024x1xf32>
    %mul3A = vector.broadcast %broadcast_in_dim3A : vector<1024x1xf32> to vector<1024x256xf32>
    %mul3A_15 = arith.mulf %concatenate3A, %mul3A : vector<1024x256xf32>
    %get3A_16 = arith.constant 0 : index
    %get3A_17 = arith.constant 0 : index
    %get3A_18 = vector.load %arg4[%get3A_16, %get3A_17] : memref<1x256xf32, #tpu.memory_space<vmem>>, vector<1x256xf32>
    %get3A_19 = vector.shape_cast %get3A_18 : vector<1x256xf32> to vector<256xf32>
    %broadcast_in_dim3A_20 = vector.shape_cast %get3A_19 : vector<256xf32> to vector<1x256xf32>
    %add3A_21 = vector.broadcast %broadcast_in_dim3A_20 : vector<1x256xf32> to vector<1024x256xf32>
    %add3A_22 = arith.addf %mul3A_15, %add3A_21 : vector<1024x256xf32>
    %swap3A = arith.constant 0 : index
    %swap3A_23 = arith.constant 0 : index
    %swap3A_24 = vector.load %arg5[%swap3A, %swap3A_23] : memref<1024x256xf32, #tpu.memory_space<vmem>>, vector<1024x256xf32>
    tpu.vector_store %arg5[%swap3A, %swap3A_23], %add3A_22 {strides = array<i32>} : memref<1024x256xf32, #tpu.memory_space<vmem>>, vector<1024x256xf32>,
    return
  }
  func.func @transform_0(%arg0: i32) -> (i32, i32) {
    %c0_i32 = arith.constant 0 : i32
    %c0_i32_0 = arith.constant 0 : i32
    return %arg0, %c0_i32 : i32, i32
  }
  func.func @transform_1(%arg0: i32) -> (i32, i32) {
    %c0_i32 = arith.constant 0 : i32
    %c0_i32_0 = arith.constant 0 : i32
    return %arg0, %c0_i32 : i32, i32
  }
  func.func @transform_2(%arg0: i32) -> (i32, i32) {
    %c0_i32 = arith.constant 0 : i32
    %c0_i32_0 = arith.constant 0 : i32
    return %c0_i32, %arg0 : i32, i32
  }
  func.func @transform_3(%arg0: i32) -> (i32, i32) {
    %c0_i32 = arith.constant 0 : i32
    %c0_i32_0 = arith.constant 0 : i32
    %c0_i32_1 = arith.constant 0 : i32
    return %c0_i32, %c0_i32_0 : i32, i32
  }
  func.func @transform_4(%arg0: i32) -> (i32, i32) {
    %c0_i32 = arith.constant 0 : i32
    %c0_i32_0 = arith.constant 0 : i32
    return %arg0, %c0_i32 : i32, i32
  }
}

</mosaic_0001>

<sc_bundles>
// kernel: kernel.6.cloned.1.call-start
scs
__scs_entry_jumppad:
0x0: {  	(pc) =	sbr.rel $0x88, $3  }
0x1: {  	(tag) =	ssettag $0x0;
	lr =	simm.s32 $0x1  }
0x2: {  	[smem:$0x3F9D] =	sst lr;
	_ =	strace $0xD0000000  }
0x3: {  	_ = 	snop  }
0x4: {  	_ = 	snop  }
0x5: {  	_ = 	snop  }
0x6: {  	_ = 	snop  }
0x7: {  	_ = 	snop  }
__scs_overlays_trampoline_lowered:
0x8: {  	[smem:$0x3FAC] =	sst s0  }
0x9: {  	[smem:$0x3FAD] =	sst s1  }
0xa: {  	[smem:$0x3FAE] =	sst s2  }
0xb: {  	[smem:$0x3FAF] =	sst s3  }
0xc: {  	[smem:$0x3FB0] =	sst s4  }
0xd: {  	[smem:$0x3FB1] =	sst s5  }
0xe: {  	[smem:$0x3FB2] =	sst s6  }
0xf: {  	[smem:$0x3FB3] =	sst s7  }
0x10: {  	[smem:$0x3FB4] =	sst s8  }
0x11: {  	[smem:$0x3FB5] =	sst s9;
	s0 =	simm.s32 @!p0 $0x0  }
0x12: {  	s1 =	sld [smem:$0x3F9B];
	s0 =	simm.s32 @p0 $0x1  }
0x13: {  	[smem:$0x3FB6] =	sst s0;
	s0 =	simm.s32 @!p1 $0x0  }
0x14: {  	s2 =	sld [smem:$0x3F9A];
	s0 =	simm.s32 @p1 $0x1  }
0x15: {  	[smem:$0x3FB7] =	sst s0;
	s0 =	simm.s32 @!p2 $0x0  }
0x16: {  	s3 =	sld [smem:$0x3FDB];
	s0 =	simm.s32 @p2 $0x1  }
0x17: {  	s4 =	simm.s32 $0x1BF5;
	[smem:$0x3FB9] =	sst s0  }
0x18: {  	s0 =	sld [smem:$0x3F9C];
	_ =	swait.ge [sflag:s4], $0x0  }
0x19: {  	s7 =	sld [smem:$0x3F9D]  }
0x1a: {  	s8 =	sadd.s32 $0xFFFFE003, lr  }
0x1b: {  	s9 =	sadd.s32 $0xFFFFFEF7, lr;
	s5 =	simm.s32 $0xFFFFFFFF;
	p2 =	slt.u32 s8, $0xFFFFF086  }
0x1c: {  	p1 =	slt.u32 s9, $0xF7A;
	s5 =	simm.s32 @!p2 $0x0  }
0x1d: {  	s5 =	simm.s32 @p1 $0x1;
	p0 =	seq.s32 s7, s2  }
0x1e: {  	s7 =	smul.u32 @!p0 $0xF7A, s2;
	p2 =	seq.s32 @!p0 s5, $0x0  }
0x1f: {  	s9 =	smul.u32 $0xF7A, s1;
	s8 =	simm.s32 @!p0 $0x1BF5;
	p2 =	por !p2, p0  }
0x20: {  	[sflag:s8] =	ssyncset.s32 @!p0 $0xFFFFF086;
	s6 =	sadd.s32 @!p0 s3, s7;
	s7 =	simm.s32 @!p0 $0x108  }
0x21: {  	s3 =	sadd.s32 s3, s9;
	s6 =	sadd.s32 @!p0 $0x88, s6;
	s7 =	simm.s32 @p2 $0x1082  }
0x22: {  	[simem:s7], [sflag:s8] =	dma.local @!p0 [hbm:s6], $0xF7A  }
0x23: {  	s9 =	sor.u32 $0xD0000000, s2;
	s6 =	simm.s32 $0x108;
	_ =	swait.ge @!p0 [sflag:s8], $0x0  }
0x24: {  	s3 =	sadd.s32 $0x88, s3;
	s6 =	simm.s32 @!p1 $0x1082;
	[sflag:s4] =	ssyncset.s32 $0xFFFFF086  }
0x25: {  	[simem:s6], [sflag:s4] =	dma.local [hbm:s3], $0xF7A  }
0x26: {  	[smem:$0x3F9D] =	sst s1;
	(tag) =	ssettag s2;
	_ =	strace s9  }
0x27: {  	s1 =	sld [smem:$0x3FAD]  }
0x28: {  	s2 =	sld [smem:$0x3FAE]  }
0x29: {  	s4 =	sld [smem:$0x3FB0]  }
0x2a: {  	p0 =	seq.s32 s5, $0x0;
	s5 =	sld [smem:$0x3FB1]  }
0x2b: {  	s6 =	sld [smem:$0x3FB2]  }
0x2c: {  	s7 =	sld [smem:$0x3FB3]  }
0x2d: {  	s3 =	simm.s32 $0x108;
	s8 =	sld [smem:$0x3FB4]  }
0x2e: {  	s3 =	simm.s32 @!p0 $0x1082;
	s9 =	sld [smem:$0x3FB5]  }
0x2f: {  	lr =	sadd.s32 s0, s3;
	s0 =	sld [smem:$0x3FAC]  }
0x30: {  	s3 =	sld [smem:$0x3FAF]  }
0x31: {  	[smem:$0x3FB8] =	sst s10  }
0x32: {  	s10 =	sld [smem:$0x3FB6];
	_ =	sdelay $0x3  }
0x33: {  	p0 =	seq.s32 s10, $0x1;
	s10 =	sld [smem:$0x3FB8];
	_ =	sdelay $0x3  }
0x34: {  	[smem:$0x3FB8] =	sst s10  }
0x35: {  	s10 =	sld [smem:$0x3FB7];
	_ =	sdelay $0x3  }
0x36: {  	p1 =	seq.s32 s10, $0x1;
	s10 =	sld [smem:$0x3FB8];
	_ =	sdelay $0x3  }
0x37: {  	[smem:$0x3FB8] =	sst s10  }
0x38: {  	s10 =	sld [smem:$0x3FB9]  }
0x39: {  	_ = 	snop;
	(pc) =	sbr.ind lr, $3  }
0x3a: {  	_ = 	snop  }
0x3b: {  	_ = 	snop  }
0x3c: {  	p2 =	seq.s32 s10, $0x1;
	s10 =	sld [smem:$0x3FB8]  }
0x3d: {  	_ =	shalt  }
0x3e: {  	_ =	shalt  }
0x3f: {  	_ =	shalt  }
0x40: {  	_ =	shalt  }
0x41: {  	_ =	shalt  }
0x42: {  	_ =	shalt  }
0x43: {  	_ =	shalt  }
0x44: {  	_ =	shalt  }
0x45: {  	_ =	shalt  }
0x46: {  	_ =	shalt  }
0x47: {  	_ =	shalt  }
0x48: {  	_ =	shalt  }
0x49: {  	_ =	shalt  }
0x4a: {  	_ =	shalt  }
0x4b: {  	_ =	shalt  }
0x4c: {  	_ =	shalt  }
0x4d: {  	_ =	shalt  }
0x4e: {  	_ =	shalt  }
0x4f: {  	_ =	shalt  }
0x50: {  	_ =	shalt  }
0x51: {  	_ =	shalt  }
0x52: {  	_ =	shalt  }
0x53: {  	_ =	shalt  }
0x54: {  	_ =	shalt  }
0x55: {  	_ =	shalt  }
0x56: {  	_ =	shalt  }
0x57: {  	_ =	shalt  }
0x58: {  	_ =	shalt  }
0x59: {  	_ =	shalt  }
0x5a: {  	_ =	shalt  }
0x5b: {  	_ =	shalt  }
0x5c: {  	_ =	shalt  }
0x5d: {  	_ =	shalt  }
0x5e: {  	_ =	shalt  }
0x5f: {  	_ =	shalt  }
0x60: {  	_ =	shalt  }
0x61: {  	_ =	shalt  }
0x62: {  	_ =	shalt  }
0x63: {  	_ =	shalt  }
0x64: {  	_ =	shalt  }
0x65: {  	_ =	shalt  }
0x66: {  	_ =	shalt  }
0x67: {  	_ =	shalt  }
0x68: {  	_ =	shalt  }
0x69: {  	_ =	shalt  }
0x6a: {  	_ =	shalt  }
0x6b: {  	_ =	shalt  }
0x6c: {  	_ =	shalt  }
0x6d: {  	_ =	shalt  }
0x6e: {  	_ =	shalt  }
0x6f: {  	_ =	shalt  }
0x70: {  	_ =	shalt  }
0x71: {  	_ =	shalt  }
0x72: {  	_ =	shalt  }
0x73: {  	_ =	shalt  }
0x74: {  	_ =	shalt  }
0x75: {  	_ =	shalt  }
0x76: {  	_ =	shalt  }
0x77: {  	_ =	shalt  }
0x78: {  	_ =	shalt  }
0x79: {  	_ =	shalt  }
0x7a: {  	_ =	shalt  }
0x7b: {  	_ =	shalt  }
0x7c: {  	_ =	shalt  }
0x7d: {  	_ =	shalt  }
0x7e: {  	_ =	shalt  }
0x7f: {  	_ =	shalt  }
0x80: {  	_ =	shalt  }
0x81: {  	_ =	shalt  }
0x82: {  	_ =	shalt  }
0x83: {  	_ =	shalt  }
0x84: {  	_ =	shalt  }
0x85: {  	_ =	shalt  }
0x86: {  	_ =	shalt  }
0x87: {  	_ =	shalt  }
.Lfunc_end0:
.L_simem_size_0:
called_computation_lowered:
.L_overlay_start_0:
0x88: {  	s2 =	sld [smem:$0x3FD9]  }
0x89: {  	s3 =	sld [smem:$0x3FFE];
	_ =	sdelay $0x1  }
0x8a: {  	s1 =	srdreg.scid  }
0x8b: {  	s0 =	sand.u32 $0x1, s1  }
0x8c: {  	s17 =	sshll.u32 s0, $0xA;
	s2 =	sadd.s32 s3, s2  }
0x8d: {  	s2 =	sadd.s32 s2, s17  }
0x8e: {  	[smem:$0x3FC4] =	sst s2  }
0x8f: {  	_ = 	snop  }
0x90: {  	s2 =	sld [smem:$0x3FD0];
	(tm) =	ssettm $0x1  }
0x91: {  	s18 =	sld [smem:$0x3FFB];
	_ =	sdelay $0x3  }
0x92: {  	_ =	strace s18  }
0x93: {  	s3 =	sld [smem:$0x3FFC];
	_ =	sdelay $0x3  }
0x94: {  	_ =	strace s3  }
0x95: {  	s3 =	sld [smem:$0x3FFD];
	_ =	sdelay $0x3  }
0x96: {  	_ =	strace s3  }
0x97: {  	_ =	strace $0x8FFFFFFF  }
0x98: {  	s19 =	sld [smem:$0x3FDB];
	_ =	sdelay $0x1  }
0x99: {  	s4 =	simm.s32 $_scs_section_size  }
0x9a: {  	s5 =	simm.s32 $_size__tile_overlayer_lowered;
	s6 =	simm.s32 $_tile_overlayer_lowered  }
0x9b: {  	s22 =	simm.s32 $0x1BFF;
	s21 =	sshll.u32 s6, $0x1;
	s3 =	sadd.s32 s4, s19  }
0x9c: {  	s7 =	simm.s32 $0x0;
	s20 =	sshll.u32 s5, $0x1;
	s5 =	sadd.s32 s21, s3  }
0x9d: {  	[timem:s7], [sflag:s22] =	dma.local [hbm:s5], s20  }
0x9e: {  	_ =	swait.ge [sflag:s22], s20  }
0x9f: {  	s4 =	ssub.s32 $0x0, s20;
	[sflag:s22] =	ssyncset.done $0x0  }
0xa0: {  	[sflag:s22] =	ssyncadd.s32 s4;
	_ =	sdelay $0x1  }
0xa1: {  	s23 =	simm.s32 $0x1B8B  }
0xa2: {  	_ =	swait.ge [sflag:s23], $0x1  }
0xa3: {  	[sflag:s23] =	ssyncset.done $0x0  }
0xa4: {  	s25 =	simm.s32 $0x1B8E;
	s24 =	sld [smem:$0x3FFE];
	[sflag:s23] =	ssyncadd.s32 $0xFFFFFFFF  }
0xa5: {  	s26 =	simm.s32 $execute0_lowered;
	[smem:$0x3FD2] =	sst s25  }
0xa6: {  	s5 =	sshll.u32 s26, $0x1;
	_ =	strace $0x80000046;
	[dreg:$0x1] =	wrdreg $0xFFFFFFFF  }
0xa7: {  	s28 =	simm.s32 $_size_execute0_lowered;
	s3 =	sadd.s32 s3, s5;
	[dreg:$0x0] =	wrdreg $0x0  }
0xa8: {  	s5 =	sshll.u32 s28, $0x1;
	[dreg:$0x2] =	wrdreg s3  }
0xa9: {  	[dreg:$0x3] =	wrdreg s5  }
0xaa: {  	[dreg:$0x4] =	wrdreg $0xC0  }
0xab: {  	_ =	task [dreg:s7], $0x5FFFF  }
0xac: {  	[dreg:$0x1] =	wrdreg $0xFFFFFFFF  }
0xad: {  	[dreg:$0x0] =	wrdreg $0x60  }
0xae: {  	[dreg:$0x2] =	wrdreg s24  }
0xaf: {  	[dreg:$0x3] =	wrdreg s2  }
0xb0: {  	[dreg:$0x4] =	wrdreg $0x14800  }
0xb1: {  	[dreg:$0x5] =	wrdreg $0x9  }
0xb2: {  	_ =	task.clear_ibuf [dreg:s7], $0x6FFFF;
	_ =	strace $0x90000046  }
0xb3: {  	s29 =	simm.s32 $0x9;
	_ =	strace $0x80000048  }
0xb4: {  	_ =	swait.ge [sflag:s29], $0x1  }
0xb5: {  	[sflag:s29] =	ssyncadd.s32 $0xFFFFFFFF  }
0xb6: {  	_ =	strace $0x90000048  }
0xb7: {  	_ =	sfence  }
0xb8: {  	s30 =	sld [smem:$0x0];
	_ =	sdelay $0x2  }
0xb9: {  	s31 =	sshll.u32 s1, $0xD;
	s1 =	sshrl.u32 s1, $0x2  }
0xba: {  	s3 =	sand.u32 $0x4000, s31;
	s1 =	sadd.s32 s1, s30  }
0xbb: {  	s0 =	sor.u32 s3, s0;
	s1 =	sshll.u32 s1, $0x11  }
0xbc: {  	s0 =	sor.u32 s1, s0  }
0xbd: {  	s0 =	sadd.s32 $0x8F2B, s0  }
0xbe: {  	[sflag:s0] =	ssyncadd.remote.s32 $0x1  }
0xbf: {  	_ =	sfence.sel $0xFFFF  }
0xc0: {  	[dreg:$0x0] =	wrdreg $0xFFFFFFFF;
	(pc) =	sbr.abs _section_cstart, $3  }
0xc1: {  	[dreg:$0x1] =	wrdreg $0xFFFFFFFF  }
0xc2: {  	_ =	task.clear_ibuf [dreg:s7], $0x2FFFF;
	_ =	strace $0x9FFFFFFF  }
0xc3: {  	(tm) =	ssettm $0x7FFFFFFF  }
tec
execute0_lowered:
.L_overlay_start_1:
0x0: {  	(tag) =	ssettag $0x1  }
0x1: {  	s4 =	rddreg [dreg:$0x0]  }
0x2: {  	s6 =	rddreg [dreg:$0x1]  }
0x3: {  	s2 =	rddreg [dreg:$0x2];
	s3 =	simm.s32 $0x0  }
0x4: {  	s24 =	simm.s32 $0x100;
	[smem:$0x7FF] =	sst s3  }
0x5: {  	s25 =	simm.s32 $0x180;
	_ =	strace $0x80000047;
	[dreg:$0x7] =	wrdreg s24  }
0x6: {  	s26 =	simm.s32 $0x200;
	[dreg:$0x8] =	wrdreg s25  }
0x7: {  	s10 =	simm.s32 $0x480;
	[dreg:$0x9] =	wrdreg s26  }
0x8: {  	s11 =	simm.s32 $0x500;
	[dreg:$0xe] =	wrdreg s10  }
0x9: {  	s7 =	srdreg.scid;
	s12 =	simm.s32 $0x580;
	[dreg:$0xf] =	wrdreg s11  }
0xa: {  	s1 =	stileid.u32;
	s13 =	simm.s32 $0x600;
	[dreg:$0x10] =	wrdreg s12  }
0xb: {  	s14 =	simm.s32 $0x680;
	s15 =	simm.s32 $0x700;
	[dreg:$0x11] =	wrdreg s13  }
0xc: {  	s16 =	simm.s32 $0x780;
	s17 =	simm.s32 $0x800;
	[dreg:$0x12] =	wrdreg s14  }
0xd: {  	s18 =	simm.s32 $0x880;
	s19 =	simm.s32 $0x900;
	[dreg:$0x13] =	wrdreg s15  }
0xe: {  	s20 =	simm.s32 $0x980;
	s0 =	sand.u32 $0x1, s7;
	[dreg:$0x14] =	wrdreg s16  }
0xf: {  	s5 =	sshll.u32 s1, $0x1;
	s7 =	sshll.u32 s7, $0x4;
	[dreg:$0x15] =	wrdreg s17  }
0x10: {  	s22 =	smul.u32 $0xA0, s1;
	s8 =	sor.u32 s0, s5;
	[dreg:$0x16] =	wrdreg s18  }
0x11: {  	s5 =	smul.u32 $0x280, s1;
	s7 =	sand.u32 $0x10, s7;
	[dreg:$0x17] =	wrdreg s19  }
0x12: {  	[dreg:$0x18] =	wrdreg s20;
	s6 =	sadd.s32 s7, s6;
	s7 =	simm.s32 $0x300  }
0x13: {  	v0 =	vimm.f32 $1.000000000e+00;
	s8 =	smul.u32 $0x280, s8;
	s23 =	sadd.s32 s22, s6;
	[dreg:$0xb] =	wrdreg s7  }
0x14: {  	[tilespmem:$0x1400] =	vst v0;
	s9 =	sshrl.u32 s5, $0x3;
	s6 =	simm.s32 $0x280;
	[dreg:$0x6] =	wrdreg s23  }
0x15: {  	[tilespmem:$0x1470] =	vst v0;
	s22 =	simm.s32 $0xA00;
	s8 =	sadd.s32 s8, s4;
	[dreg:$0xa] =	wrdreg s6  }
0x16: {  	[tilespmem:$0x1460] =	vst v0;
	s4 =	sadd.s32 s9, s4;
	s9 =	simm.s32 $0x400;
	[dreg:$0x19] =	wrdreg s22  }
0x17: {  	[tilespmem:$0x1450] =	vst v0;
	s8 =	sadd.s32 $0x6800, s8;
	[dreg:$0xd] =	wrdreg s9  }
0x18: {  	[tilespmem:$0x1440] =	vst v0;
	s4 =	sadd.s32 $0xB800, s4;
	[dreg:$0x4] =	wrdreg s8  }
0x19: {  	[tilespmem:$0x1430] =	vst v0;
	[dreg:$0x5] =	wrdreg s4;
	s8 =	simm.s32 $0x380  }
0x1a: {  	[tilespmem:$0x1420] =	vst v0;
	[dreg:$0xc] =	wrdreg s8  }
0x1b: {  	[tilespmem:$0x1410] =	vst v0;
	s4 =	simm.s32 $0x2;
	s21 =	rddreg [dreg:$0x4]  }
0x1c: {  	[tilespmem:s3], [sflag:$0x2] =	stream.linear.gather [hbm4b:s21+s3], $0x1400, $0x38;
	[tilespmem:$0x1700] =	vst v63  }
0x1d: {  	s25 =	sshll.u32 s1, $0x6;
	_ =	swait.ge [sflag:s4], $0x1400  }
0x1e: {  	s24 =	sadd.s32 s5, s2;
	s5 =	sor.u32 $0x1C02, s25;
	[sflag:s4] =	ssyncset.done $0x0  }
0x1f: {  	s6 =	sshrl.u32 s24, $0x3;
	s23 =	rddreg [dreg:$0x5];
	[sflag:s4] =	ssyncadd.s32 $0xFFFFEC00  }
0x20: {  	[spmem:s6], [sflag:s5] =	dma.local [hbm:s23], $0x50  }
0x21: {  	_ =	swait.ge [sflag:s4], $0x50  }
0x22: {  	[sflag:s4] =	ssyncset.done $0x0  }
0x23: {  	[sflag:s4] =	ssyncadd.s32 $0xFFFFFFB0  }
0x24: {  	s7 =	simm.s32 $0x80;
	s8 =	simm.s32 $0x1400;
	[bflag:$0x0] =	sbarrier.arrive $0xFFFF  }
0x25: {  	[spmem:s2] =	stream.indirect.scatter.add.f32 [tilespmem:s8], [sflag:$0x1], $0x1, s3, s7, $0xb8;
	[tilespmem:$0x1700] =	vst v63  }
0x26: {  	_ = 	snop  }
0x27: {  	[spmem:s2] =	stream.indirect.scatter.add.f32 [tilespmem:s8], [sflag:$0x1], $0x1, s7, s7, $0xb8;
	[tilespmem:$0x1700] =	vst v63  }
0x28: {  	s26 =	rddreg [dreg:$0x7]  }
0x29: {  	[spmem:s2] =	stream.indirect.scatter.add.f32 [tilespmem:s8], [sflag:$0x1], $0x1, s26, s7, $0xb8;
	[tilespmem:$0x1700] =	vst v63  }
0x2a: {  	s10 =	rddreg [dreg:$0x8]  }
0x2b: {  	[spmem:s2] =	stream.indirect.scatter.add.f32 [tilespmem:s8], [sflag:$0x1], $0x1, s10, s7, $0xb8;
	[tilespmem:$0x1700] =	vst v63  }
0x2c: {  	s1 =	rddreg [dreg:$0x9]  }
0x2d: {  	[spmem:s2] =	stream.indirect.scatter.add.f32 [tilespmem:s8], [sflag:$0x1], $0x1, s1, s7, $0xb8;
	[tilespmem:$0x1700] =	vst v63  }
0x2e: {  	s11 =	rddreg [dreg:$0xa]  }
0x2f: {  	[spmem:s2] =	stream.indirect.scatter.add.f32 [tilespmem:s8], [sflag:$0x1], $0x1, s11, s7, $0xb8;
	[tilespmem:$0x1700] =	vst v63  }
0x30: {  	s12 =	rddreg [dreg:$0xb]  }
0x31: {  	[spmem:s2] =	stream.indirect.scatter.add.f32 [tilespmem:s8], [sflag:$0x1], $0x1, s12, s7, $0xb8;
	[tilespmem:$0x1700] =	vst v63  }
0x32: {  	s9 =	simm.s32 $0x1;
	s13 =	rddreg [dreg:$0xc]  }
0x33: {  	[spmem:s2] =	stream.indirect.scatter.add.f32 [tilespmem:s8], [sflag:$0x1], $0x1, s13, s7, $0xb8;
	[tilespmem:$0x1700] =	vst v63  }
0x34: {  	_ =	swait.ge [sflag:s9], $0x80  }
0x35: {  	[sflag:s9] =	ssyncset.done $0x0  }
0x36: {  	[sflag:s9] =	ssyncadd.s32 $0xFFFFFF80  }
0x37: {  	_ =	swait.ge [sflag:s9], $0x80  }
0x38: {  	[sflag:s9] =	ssyncset.done $0x0  }
0x39: {  	[sflag:s9] =	ssyncadd.s32 $0xFFFFFF80  }
0x3a: {  	_ =	swait.ge [sflag:s9], $0x80  }
0x3b: {  	[sflag:s9] =	ssyncset.done $0x0  }
0x3c: {  	[sflag:s9] =	ssyncadd.s32 $0xFFFFFF80  }
0x3d: {  	_ =	swait.ge [sflag:s9], $0x80  }
0x3e: {  	[sflag:s9] =	ssyncset.done $0x0  }
0x3f: {  	[sflag:s9] =	ssyncadd.s32 $0xFFFFFF80  }
0x40: {  	_ =	swait.ge [sflag:s9], $0x80  }
0x41: {  	[sflag:s9] =	ssyncset.done $0x0  }
0x42: {  	[sflag:s9] =	ssyncadd.s32 $0xFFFFFF80  }
0x43: {  	_ =	swait.ge [sflag:s9], $0x80  }
0x44: {  	[sflag:s9] =	ssyncset.done $0x0  }
0x45: {  	[sflag:s9] =	ssyncadd.s32 $0xFFFFFF80  }
0x46: {  	_ =	swait.ge [sflag:s9], $0x80  }
0x47: {  	[sflag:s9] =	ssyncset.done $0x0  }
0x48: {  	[sflag:s9] =	ssyncadd.s32 $0xFFFFFF80  }
0x49: {  	_ =	swait.ge [sflag:s9], $0x80  }
0x4a: {  	[sflag:s9] =	ssyncset.done $0x0  }
0x4b: {  	s14 =	rddreg [dreg:$0xd];
	[sflag:s9] =	ssyncadd.s32 $0xFFFFFF80  }
0x4c: {  	[spmem:s2] =	stream.indirect.scatter.add.f32 [tilespmem:s8], [sflag:$0x1], $0x1, s14, s7, $0xb8;
	[tilespmem:$0x1700] =	vst v63  }
0x4d: {  	s11 =	rddreg [dreg:$0xe]  }
0x4e: {  	[spmem:s2] =	stream.indirect.scatter.add.f32 [tilespmem:s8], [sflag:$0x1], $0x1, s11, s7, $0xb8;
	[tilespmem:$0x1700] =	vst v63  }
0x4f: {  	s15 =	rddreg [dreg:$0xf]  }
0x50: {  	[spmem:s2] =	stream.indirect.scatter.add.f32 [tilespmem:s8], [sflag:$0x1], $0x1, s15, s7, $0xb8;
	[tilespmem:$0x1700] =	vst v63  }
0x51: {  	s16 =	rddreg [dreg:$0x10]  }
0x52: {  	[spmem:s2] =	stream.indirect.scatter.add.f32 [tilespmem:s8], [sflag:$0x1], $0x1, s16, s7, $0xb8;
	[tilespmem:$0x1700] =	vst v63  }
0x53: {  	s17 =	rddreg [dreg:$0x11]  }
0x54: {  	[spmem:s2] =	stream.indirect.scatter.add.f32 [tilespmem:s8], [sflag:$0x1], $0x1, s17, s7, $0xb8;
	[tilespmem:$0x1700] =	vst v63  }
0x55: {  	s18 =	rddreg [dreg:$0x12]  }
0x56: {  	[spmem:s2] =	stream.indirect.scatter.add.f32 [tilespmem:s8], [sflag:$0x1], $0x1, s18, s7, $0xb8;
	[tilespmem:$0x1700] =	vst v63  }
0x57: {  	s19 =	rddreg [dreg:$0x13]  }
0x58: {  	[spmem:s2] =	stream.indirect.scatter.add.f32 [tilespmem:s8], [sflag:$0x1], $0x1, s19, s7, $0xb8;
	[tilespmem:$0x1700] =	vst v63  }
0x59: {  	s20 =	rddreg [dreg:$0x14]  }
0x5a: {  	[spmem:s2] =	stream.indirect.scatter.add.f32 [tilespmem:s8], [sflag:$0x1], $0x1, s20, s7, $0xb8;
	[tilespmem:$0x1700] =	vst v63  }
0x5b: {  	_ =	swait.ge [sflag:s9], $0x80  }
0x5c: {  	[sflag:s9] =	ssyncset.done $0x0  }
0x5d: {  	[sflag:s9] =	ssyncadd.s32 $0xFFFFFF80  }
0x5e: {  	_ =	swait.ge [sflag:s9], $0x80  }
0x5f: {  	[sflag:s9] =	ssyncset.done $0x0  }
0x60: {  	[sflag:s9] =	ssyncadd.s32 $0xFFFFFF80  }
0x61: {  	_ =	swait.ge [sflag:s9], $0x80  }
0x62: {  	[sflag:s9] =	ssyncset.done $0x0  }
0x63: {  	[sflag:s9] =	ssyncadd.s32 $0xFFFFFF80  }
0x64: {  	_ =	swait.ge [sflag:s9], $0x80  }
0x65: {  	[sflag:s9] =	ssyncset.done $0x0  }
0x66: {  	[sflag:s9] =	ssyncadd.s32 $0xFFFFFF80  }
0x67: {  	_ =	swait.ge [sflag:s9], $0x80  }
0x68: {  	[sflag:s9] =	ssyncset.done $0x0  }
0x69: {  	[sflag:s9] =	ssyncadd.s32 $0xFFFFFF80  }
0x6a: {  	_ =	swait.ge [sflag:s9], $0x80  }
0x6b: {  	[sflag:s9] =	ssyncset.done $0x0  }
0x6c: {  	[sflag:s9] =	ssyncadd.s32 $0xFFFFFF80  }
0x6d: {  	_ =	swait.ge [sflag:s9], $0x80  }
0x6e: {  	[sflag:s9] =	ssyncset.done $0x0  }
0x6f: {  	[sflag:s9] =	ssyncadd.s32 $0xFFFFFF80  }
0x70: {  	_ =	swait.ge [sflag:s9], $0x80  }
0x71: {  	[sflag:s9] =	ssyncset.done $0x0  }
0x72: {  	s21 =	rddreg [dreg:$0x15];
	[sflag:s9] =	ssyncadd.s32 $0xFFFFFF80  }
0x73: {  	[spmem:s2] =	stream.indirect.scatter.add.f32 [tilespmem:s8], [sflag:$0x1], $0x1, s21, s7, $0xb8;
	[tilespmem:$0x1700] =	vst v63  }
0x74: {  	s22 =	rddreg [dreg:$0x16]  }
0x75: {  	[spmem:s2] =	stream.indirect.scatter.add.f32 [tilespmem:s8], [sflag:$0x1], $0x1, s22, s7, $0xb8;
	[tilespmem:$0x1700] =	vst v63  }
0x76: {  	s23 =	rddreg [dreg:$0x17]  }
0x77: {  	[spmem:s2] =	stream.indirect.scatter.add.f32 [tilespmem:s8], [sflag:$0x1], $0x1, s23, s7, $0xb8;
	[tilespmem:$0x1700] =	vst v63  }
0x78: {  	s24 =	rddreg [dreg:$0x18]  }
0x79: {  	[spmem:s2] =	stream.indirect.scatter.add.f32 [tilespmem:s8], [sflag:$0x1], $0x1, s24, s7, $0xb8;
	[tilespmem:$0x1700] =	vst v63  }
0x7a: {  	s25 =	rddreg [dreg:$0x19]  }
0x7b: {  	[spmem:s2] =	stream.indirect.scatter.add.f32 [tilespmem:s8], [sflag:$0x1], $0x1, s25, s7, $0xb8;
	[tilespmem:$0x1700] =	vst v63  }
0x7c: {  	s26 =	simm.s32 $0xA80  }
0x7d: {  	[spmem:s2] =	stream.indirect.scatter.add.f32 [tilespmem:s8], [sflag:$0x1], $0x1, s26, s7, $0xb8;
	[tilespmem:$0x1700] =	vst v63  }
0x7e: {  	s11 =	simm.s32 $0xB00  }
0x7f: {  	[spmem:s2] =	stream.indirect.scatter.add.f32 [tilespmem:s8], [sflag:$0x1], $0x1, s11, s7, $0xb8;
	[tilespmem:$0x1700] =	vst v63  }
0x80: {  	s12 =	simm.s32 $0xB80  }
0x81: {  	[spmem:s2] =	stream.indirect.scatter.add.f32 [tilespmem:s8], [sflag:$0x1], $0x1, s12, s7, $0xb8;
	[tilespmem:$0x1700] =	vst v63  }
0x82: {  	_ =	swait.ge [sflag:s9], $0x80  }
0x83: {  	[sflag:s9] =	ssyncset.done $0x0  }
0x84: {  	[sflag:s9] =	ssyncadd.s32 $0xFFFFFF80  }
0x85: {  	_ =	swait.ge [sflag:s9], $0x80  }
0x86: {  	[sflag:s9] =	ssyncset.done $0x0  }
0x87: {  	[sflag:s9] =	ssyncadd.s32 $0xFFFFFF80  }
0x88: {  	_ =	swait.ge [sflag:s9], $0x80  }
0x89: {  	[sflag:s9] =	ssyncset.done $0x0  }
0x8a: {  	[sflag:s9] =	ssyncadd.s32 $0xFFFFFF80  }
0x8b: {  	_ =	swait.ge [sflag:s9], $0x80  }
0x8c: {  	[sflag:s9] =	ssyncset.done $0x0  }
0x8d: {  	[sflag:s9] =	ssyncadd.s32 $0xFFFFFF80  }
0x8e: {  	_ =	swait.ge [sflag:s9], $0x80  }
0x8f: {  	[sflag:s9] =	ssyncset.done $0x0  }
0x90: {  	[sflag:s9] =	ssyncadd.s32 $0xFFFFFF80  }
0x91: {  	_ =	swait.ge [sflag:s9], $0x80  }
0x92: {  	[sflag:s9] =	ssyncset.done $0x0  }
0x93: {  	[sflag:s9] =	ssyncadd.s32 $0xFFFFFF80  }
0x94: {  	_ =	swait.ge [sflag:s9], $0x80  }
0x95: {  	[sflag:s9] =	ssyncset.done $0x0  }
0x96: {  	[sflag:s9] =	ssyncadd.s32 $0xFFFFFF80  }
0x97: {  	_ =	swait.ge [sflag:s9], $0x80  }
0x98: {  	[sflag:s9] =	ssyncset.done $0x0  }
0x99: {  	s13 =	simm.s32 $0xC00;
	[sflag:s9] =	ssyncadd.s32 $0xFFFFFF80  }
0x9a: {  	[spmem:s2] =	stream.indirect.scatter.add.f32 [tilespmem:s8], [sflag:$0x1], $0x1, s13, s7, $0xb8;
	[tilespmem:$0x1700] =	vst v63  }
0x9b: {  	s14 =	simm.s32 $0xC80  }
0x9c: {  	[spmem:s2] =	stream.indirect.scatter.add.f32 [tilespmem:s8], [sflag:$0x1], $0x1, s14, s7, $0xb8;
	[tilespmem:$0x1700] =	vst v63  }
0x9d: {  	s15 =	simm.s32 $0xD00  }
0x9e: {  	[spmem:s2] =	stream.indirect.scatter.add.f32 [tilespmem:s8], [sflag:$0x1], $0x1, s15, s7, $0xb8;
	[tilespmem:$0x1700] =	vst v63  }
0x9f: {  	s16 =	simm.s32 $0xD80  }
0xa0: {  	[spmem:s2] =	stream.indirect.scatter.add.f32 [tilespmem:s8], [sflag:$0x1], $0x1, s16, s7, $0xb8;
	[tilespmem:$0x1700] =	vst v63  }
0xa1: {  	s17 =	simm.s32 $0xE00  }
0xa2: {  	[spmem:s2] =	stream.indirect.scatter.add.f32 [tilespmem:s8], [sflag:$0x1], $0x1, s17, s7, $0xb8;
	[tilespmem:$0x1700] =	vst v63  }
0xa3: {  	s18 =	simm.s32 $0xE80  }
0xa4: {  	[spmem:s2] =	stream.indirect.scatter.add.f32 [tilespmem:s8], [sflag:$0x1], $0x1, s18, s7, $0xb8;
	[tilespmem:$0x1700] =	vst v63  }
0xa5: {  	s19 =	simm.s32 $0xF00  }
0xa6: {  	[spmem:s2] =	stream.indirect.scatter.add.f32 [tilespmem:s8], [sflag:$0x1], $0x1, s19, s7, $0xb8;
	[tilespmem:$0x1700] =	vst v63  }
0xa7: {  	s20 =	simm.s32 $0xF80  }
0xa8: {  	[spmem:s2] =	stream.indirect.scatter.add.f32 [tilespmem:s8], [sflag:$0x1], $0x1, s20, s7, $0xb8;
	[tilespmem:$0x1700] =	vst v63  }
0xa9: {  	_ =	swait.ge [sflag:s9], $0x80  }
0xaa: {  	[sflag:s9] =	ssyncset.done $0x0  }
0xab: {  	[sflag:s9] =	ssyncadd.s32 $0xFFFFFF80  }
0xac: {  	_ =	swait.ge [sflag:s9], $0x80  }
0xad: {  	[sflag:s9] =	ssyncset.done $0x0  }
0xae: {  	[sflag:s9] =	ssyncadd.s32 $0xFFFFFF80  }
0xaf: {  	_ =	swait.ge [sflag:s9], $0x80  }
0xb0: {  	[sflag:s9] =	ssyncset.done $0x0  }
0xb1: {  	[sflag:s9] =	ssyncadd.s32 $0xFFFFFF80  }
0xb2: {  	_ =	swait.ge [sflag:s9], $0x80  }
0xb3: {  	[sflag:s9] =	ssyncset.done $0x0  }
0xb4: {  	[sflag:s9] =	ssyncadd.s32 $0xFFFFFF80  }
0xb5: {  	_ =	swait.ge [sflag:s9], $0x80  }
0xb6: {  	[sflag:s9] =	ssyncset.done $0x0  }
0xb7: {  	[sflag:s9] =	ssyncadd.s32 $0xFFFFFF80  }
0xb8: {  	_ =	swait.ge [sflag:s9], $0x80  }
0xb9: {  	[sflag:s9] =	ssyncset.done $0x0  }
0xba: {  	[sflag:s9] =	ssyncadd.s32 $0xFFFFFF80  }
0xbb: {  	_ =	swait.ge [sflag:s9], $0x80  }
0xbc: {  	[sflag:s9] =	ssyncset.done $0x0  }
0xbd: {  	[sflag:s9] =	ssyncadd.s32 $0xFFFFFF80  }
0xbe: {  	_ =	swait.ge [sflag:s9], $0x80  }
0xbf: {  	[sflag:s9] =	ssyncset.done $0x0  }
0xc0: {  	s21 =	simm.s32 $0x1000;
	[sflag:s9] =	ssyncadd.s32 $0xFFFFFF80  }
0xc1: {  	[spmem:s2] =	stream.indirect.scatter.add.f32 [tilespmem:s8], [sflag:$0x1], $0x1, s21, s7, $0xb8;
	[tilespmem:$0x1700] =	vst v63  }
0xc2: {  	s22 =	simm.s32 $0x1080  }
0xc3: {  	[spmem:s2] =	stream.indirect.scatter.add.f32 [tilespmem:s8], [sflag:$0x1], $0x1, s22, s7, $0xb8;
	[tilespmem:$0x1700] =	vst v63  }
0xc4: {  	s23 =	simm.s32 $0x1100  }
0xc5: {  	[spmem:s2] =	stream.indirect.scatter.add.f32 [tilespmem:s8], [sflag:$0x1], $0x1, s23, s7, $0xb8;
	[tilespmem:$0x1700] =	vst v63  }
0xc6: {  	s24 =	simm.s32 $0x1180  }
0xc7: {  	[spmem:s2] =	stream.indirect.scatter.add.f32 [tilespmem:s8], [sflag:$0x1], $0x1, s24, s7, $0xb8;
	[tilespmem:$0x1700] =	vst v63  }
0xc8: {  	s25 =	simm.s32 $0x1200  }
0xc9: {  	[spmem:s2] =	stream.indirect.scatter.add.f32 [tilespmem:s8], [sflag:$0x1], $0x1, s25, s7, $0xb8;
	[tilespmem:$0x1700] =	vst v63  }
0xca: {  	s26 =	simm.s32 $0x1280  }
0xcb: {  	[spmem:s2] =	stream.indirect.scatter.add.f32 [tilespmem:s8], [sflag:$0x1], $0x1, s26, s7, $0xb8;
	[tilespmem:$0x1700] =	vst v63  }
0xcc: {  	s28 =	simm.s32 $0x1300  }
0xcd: {  	[spmem:s2] =	stream.indirect.scatter.add.f32 [tilespmem:s8], [sflag:$0x1], $0x1, s28, s7, $0xb8;
	[tilespmem:$0x1700] =	vst v63  }
0xce: {  	s29 =	simm.s32 $0x1380  }
0xcf: {  	[spmem:s2] =	stream.indirect.scatter.add.f32 [tilespmem:s8], [sflag:$0x1], $0x1, s29, s7, $0xb8;
	[tilespmem:$0x1700] =	vst v63  }
0xd0: {  	_ =	swait.ge [sflag:s9], $0x80  }
0xd1: {  	[sflag:s9] =	ssyncset.done $0x0  }
0xd2: {  	[sflag:s9] =	ssyncadd.s32 $0xFFFFFF80  }
0xd3: {  	_ =	swait.ge [sflag:s9], $0x80  }
0xd4: {  	[sflag:s9] =	ssyncset.done $0x0  }
0xd5: {  	[sflag:s9] =	ssyncadd.s32 $0xFFFFFF80  }
0xd6: {  	_ =	swait.ge [sflag:s9], $0x80  }
0xd7: {  	[sflag:s9] =	ssyncset.done $0x0  }
0xd8: {  	[sflag:s9] =	ssyncadd.s32 $0xFFFFFF80  }
0xd9: {  	_ =	swait.ge [sflag:s9], $0x80  }
0xda: {  	[sflag:s9] =	ssyncset.done $0x0  }
0xdb: {  	[sflag:s9] =	ssyncadd.s32 $0xFFFFFF80  }
0xdc: {  	_ =	swait.ge [sflag:s9], $0x80  }
0xdd: {  	[sflag:s9] =	ssyncset.done $0x0  }
0xde: {  	[sflag:s9] =	ssyncadd.s32 $0xFFFFFF80  }
0xdf: {  	_ =	swait.ge [sflag:s9], $0x80  }
0xe0: {  	[sflag:s9] =	ssyncset.done $0x0  }
0xe1: {  	[sflag:s9] =	ssyncadd.s32 $0xFFFFFF80  }
0xe2: {  	_ =	swait.ge [sflag:s9], $0x80  }
0xe3: {  	s0 =	ssub.s32 $0x2, s0;
	[sflag:s9] =	ssyncset.done $0x0  }
0xe4: {  	s30 =	sshrl.u32 s0, $0x1;
	[sflag:s9] =	ssyncadd.s32 $0xFFFFFF80  }
0xe5: {  	s0 =	ssub.s32 s0, s30;
	_ =	swait.ge [sflag:s9], $0x80  }
0xe6: {  	s0 =	smax.u32 s0, $0x1;
	[sflag:s9] =	ssyncset.done $0x0  }
0xe7: {  	p0 =	sne.s32 s0, $0x1;
	[sflag:s9] =	ssyncadd.s32 $0xFFFFFF80  }
.Ltmp0:
0xe8: {  	[bflag:$0x0] =	sbarrier.arrive $0xFFFF;
	(pc) =	sbr.rel @!p0 .LBB2_2-.Ltmp0, $4  }
0xe9: {  	s31 =	simm.s32 $0x10;
	s30 =	simm.s32 $0x20;
	s10 =	rddreg [dreg:$0x6]  }
0xea: {  	[hbm:s10@s30], [sflag:s5] =	dma.strided [spmem:s6@s31], $0x50, s9, $0x10   }
0xeb: {  	_ =	swait.ge [sflag:s4], $0x50  }
0xec: {  	s0 =	sadd.s32 $0xFFFFFFFF, s0;
	[sflag:s4] =	ssyncset.done $0x0  }
.LBB2_1:
0xed: {  	[sflag:s4] =	ssyncadd.s32 $0xFFFFFFB0  }
0xee: {  	[tilespmem:$0x1400] =	vst v0  }
0xef: {  	[tilespmem:$0x1470] =	vst v0  }
0xf0: {  	[tilespmem:$0x1460] =	vst v0  }
0xf1: {  	[tilespmem:$0x1450] =	vst v0  }
0xf2: {  	[tilespmem:$0x1440] =	vst v0  }
0xf3: {  	[tilespmem:$0x1430] =	vst v0  }
0xf4: {  	[tilespmem:$0x1420] =	vst v0  }
0xf5: {  	s1 =	rddreg [dreg:$0x4];
	[tilespmem:$0x1410] =	vst v0  }
0xf6: {  	[tilespmem:s3], [sflag:$0x2] =	stream.linear.gather [hbm4b:s1+s3], $0x1400, $0x38;
	[tilespmem:$0x1700] =	vst v63  }
0xf7: {  	_ =	swait.ge [sflag:s4], $0x1400  }
0xf8: {  	[sflag:s4] =	ssyncset.done $0x0  }
0xf9: {  	s10 =	rddreg [dreg:$0x5];
	[sflag:s4] =	ssyncadd.s32 $0xFFFFEC00  }
0xfa: {  	[spmem:s6], [sflag:s5] =	dma.local [hbm:s10], $0x50  }
0xfb: {  	_ =	swait.ge [sflag:s4], $0x50  }
0xfc: {  	[sflag:s4] =	ssyncset.done $0x0  }
0xfd: {  	[sflag:s4] =	ssyncadd.s32 $0xFFFFFFB0  }
0xfe: {  	[bflag:$0x0] =	sbarrier.arrive $0xFFFF  }
0xff: {  	[spmem:s2] =	stream.indirect.scatter.add.f32 [tilespmem:s8], [sflag:$0x1], $0x1, s3, s7, $0xb8;
	[tilespmem:$0x1700] =	vst v63  }
0x100: {  	_ = 	snop  }
0x101: {  	[spmem:s2] =	stream.indirect.scatter.add.f32 [tilespmem:s8], [sflag:$0x1], $0x1, s7, s7, $0xb8;
	[tilespmem:$0x1700] =	vst v63  }
0x102: {  	s1 =	rddreg [dreg:$0x7]  }
0x103: {  	[spmem:s2] =	stream.indirect.scatter.add.f32 [tilespmem:s8], [sflag:$0x1], $0x1, s1, s7, $0xb8;
	[tilespmem:$0x1700] =	vst v63  }
0x104: {  	s10 =	rddreg [dreg:$0x8]  }
0x105: {  	[spmem:s2] =	stream.indirect.scatter.add.f32 [tilespmem:s8], [sflag:$0x1], $0x1, s10, s7, $0xb8;
	[tilespmem:$0x1700] =	vst v63  }
0x106: {  	s1 =	rddreg [dreg:$0x9]  }
0x107: {  	[spmem:s2] =	stream.indirect.scatter.add.f32 [tilespmem:s8], [sflag:$0x1], $0x1, s1, s7, $0xb8;
	[tilespmem:$0x1700] =	vst v63  }
0x108: {  	s10 =	rddreg [dreg:$0xa]  }
0x109: {  	[spmem:s2] =	stream.indirect.scatter.add.f32 [tilespmem:s8], [sflag:$0x1], $0x1, s10, s7, $0xb8;
	[tilespmem:$0x1700] =	vst v63  }
0x10a: {  	s1 =	rddreg [dreg:$0xb]  }
0x10b: {  	[spmem:s2] =	stream.indirect.scatter.add.f32 [tilespmem:s8], [sflag:$0x1], $0x1, s1, s7, $0xb8;
	[tilespmem:$0x1700] =	vst v63  }
0x10c: {  	s10 =	rddreg [dreg:$0xc]  }
0x10d: {  	[spmem:s2] =	stream.indirect.scatter.add.f32 [tilespmem:s8], [sflag:$0x1], $0x1, s10, s7, $0xb8;
	[tilespmem:$0x1700] =	vst v63  }
0x10e: {  	_ =	swait.ge [sflag:s9], $0x80  }
0x10f: {  	[sflag:s9] =	ssyncset.done $0x0  }
0x110: {  	[sflag:s9] =	ssyncadd.s32 $0xFFFFFF80  }
0x111: {  	_ =	swait.ge [sflag:s9], $0x80  }
0x112: {  	[sflag:s9] =	ssyncset.done $0x0  }
0x113: {  	[sflag:s9] =	ssyncadd.s32 $0xFFFFFF80  }
0x114: {  	_ =	swait.ge [sflag:s9], $0x80  }
0x115: {  	[sflag:s9] =	ssyncset.done $0x0  }
0x116: {  	[sflag:s9] =	ssyncadd.s32 $0xFFFFFF80  }
0x117: {  	_ =	swait.ge [sflag:s9], $0x80  }
0x118: {  	[sflag:s9] =	ssyncset.done $0x0  }
0x119: {  	[sflag:s9] =	ssyncadd.s32 $0xFFFFFF80  }
0x11a: {  	_ =	swait.ge [sflag:s9], $0x80  }
0x11b: {  	[sflag:s9] =	ssyncset.done $0x0  }
0x11c: {  	[sflag:s9] =	ssyncadd.s32 $0xFFFFFF80  }
0x11d: {  	_ =	swait.ge [sflag:s9], $0x80  }
0x11e: {  	[sflag:s9] =	ssyncset.done $0x0  }
0x11f: {  	[sflag:s9] =	ssyncadd.s32 $0xFFFFFF80  }
0x120: {  	_ =	swait.ge [sflag:s9], $0x80  }
0x121: {  	[sflag:s9] =	ssyncset.done $0x0  }
0x122: {  	[sflag:s9] =	ssyncadd.s32 $0xFFFFFF80  }
0x123: {  	_ =	swait.ge [sflag:s9], $0x80  }
0x124: {  	[sflag:s9] =	ssyncset.done $0x0  }
0x125: {  	s1 =	rddreg [dreg:$0xd];
	[sflag:s9] =	ssyncadd.s32 $0xFFFFFF80  }
0x126: {  	[spmem:s2] =	stream.indirect.scatter.add.f32 [tilespmem:s8], [sflag:$0x1], $0x1, s1, s7, $0xb8;
	[tilespmem:$0x1700] =	vst v63  }
0x127: {  	s10 =	rddreg [dreg:$0xe]  }
0x128: {  	[spmem:s2] =	stream.indirect.scatter.add.f32 [tilespmem:s8], [sflag:$0x1], $0x1, s10, s7, $0xb8;
	[tilespmem:$0x1700] =	vst v63  }
0x129: {  	s1 =	rddreg [dreg:$0xf]  }
0x12a: {  	[spmem:s2] =	stream.indirect.scatter.add.f32 [tilespmem:s8], [sflag:$0x1], $0x1, s1, s7, $0xb8;
	[tilespmem:$0x1700] =	vst v63  }
0x12b: {  	s10 =	rddreg [dreg:$0x10]  }
0x12c: {  	[spmem:s2] =	stream.indirect.scatter.add.f32 [tilespmem:s8], [sflag:$0x1], $0x1, s10, s7, $0xb8;
	[tilespmem:$0x1700] =	vst v63  }
0x12d: {  	s1 =	rddreg [dreg:$0x11]  }
0x12e: {  	[spmem:s2] =	stream.indirect.scatter.add.f32 [tilespmem:s8], [sflag:$0x1], $0x1, s1, s7, $0xb8;
	[tilespmem:$0x1700] =	vst v63  }
0x12f: {  	s10 =	rddreg [dreg:$0x12]  }
0x130: {  	[spmem:s2] =	stream.indirect.scatter.add.f32 [tilespmem:s8], [sflag:$0x1], $0x1, s10, s7, $0xb8;
	[tilespmem:$0x1700] =	vst v63  }
0x131: {  	s1 =	rddreg [dreg:$0x13]  }
0x132: {  	[spmem:s2] =	stream.indirect.scatter.add.f32 [tilespmem:s8], [sflag:$0x1], $0x1, s1, s7, $0xb8;
	[tilespmem:$0x1700] =	vst v63  }
0x133: {  	s10 =	rddreg [dreg:$0x14]  }
0x134: {  	[spmem:s2] =	stream.indirect.scatter.add.f32 [tilespmem:s8], [sflag:$0x1], $0x1, s10, s7, $0xb8;
	[tilespmem:$0x1700] =	vst v63  }
0x135: {  	_ =	swait.ge [sflag:s9], $0x80  }
0x136: {  	[sflag:s9] =	ssyncset.done $0x0  }
0x137: {  	[sflag:s9] =	ssyncadd.s32 $0xFFFFFF80  }
0x138: {  	_ =	swait.ge [sflag:s9], $0x80  }
0x139: {  	[sflag:s9] =	ssyncset.done $0x0  }
0x13a: {  	[sflag:s9] =	ssyncadd.s32 $0xFFFFFF80  }
0x13b: {  	_ =	swait.ge [sflag:s9], $0x80  }
0x13c: {  	[sflag:s9] =	ssyncset.done $0x0  }
0x13d: {  	[sflag:s9] =	ssyncadd.s32 $0xFFFFFF80  }
0x13e: {  	_ =	swait.ge [sflag:s9], $0x80  }
0x13f: {  	[sflag:s9] =	ssyncset.done $0x0  }
0x140: {  	[sflag:s9] =	ssyncadd.s32 $0xFFFFFF80  }
0x141: {  	_ =	swait.ge [sflag:s9], $0x80  }
0x142: {  	[sflag:s9] =	ssyncset.done $0x0  }
0x143: {  	[sflag:s9] =	ssyncadd.s32 $0xFFFFFF80  }
0x144: {  	_ =	swait.ge [sflag:s9], $0x80  }
0x145: {  	[sflag:s9] =	ssyncset.done $0x0  }
0x146: {  	[sflag:s9] =	ssyncadd.s32 $0xFFFFFF80  }
0x147: {  	_ =	swait.ge [sflag:s9], $0x80  }
0x148: {  	[sflag:s9] =	ssyncset.done $0x0  }
0x149: {  	[sflag:s9] =	ssyncadd.s32 $0xFFFFFF80  }
0x14a: {  	_ =	swait.ge [sflag:s9], $0x80  }
0x14b: {  	[sflag:s9] =	ssyncset.done $0x0  }
0x14c: {  	s1 =	rddreg [dreg:$0x15];
	[sflag:s9] =	ssyncadd.s32 $0xFFFFFF80  }
0x14d: {  	[spmem:s2] =	stream.indirect.scatter.add.f32 [tilespmem:s8], [sflag:$0x1], $0x1, s1, s7, $0xb8;
	[tilespmem:$0x1700] =	vst v63  }
0x14e: {  	s10 =	rddreg [dreg:$0x16]  }
0x14f: {  	[spmem:s2] =	stream.indirect.scatter.add.f32 [tilespmem:s8], [sflag:$0x1], $0x1, s10, s7, $0xb8;
	[tilespmem:$0x1700] =	vst v63  }
0x150: {  	s1 =	rddreg [dreg:$0x17]  }
0x151: {  	[spmem:s2] =	stream.indirect.scatter.add.f32 [tilespmem:s8], [sflag:$0x1], $0x1, s1, s7, $0xb8;
	[tilespmem:$0x1700] =	vst v63  }
0x152: {  	s10 =	rddreg [dreg:$0x18]  }
0x153: {  	[spmem:s2] =	stream.indirect.scatter.add.f32 [tilespmem:s8], [sflag:$0x1], $0x1, s10, s7, $0xb8;
	[tilespmem:$0x1700] =	vst v63  }
0x154: {  	s1 =	rddreg [dreg:$0x19]  }
0x155: {  	[spmem:s2] =	stream.indirect.scatter.add.f32 [tilespmem:s8], [sflag:$0x1], $0x1, s1, s7, $0xb8;
	[tilespmem:$0x1700] =	vst v63  }
0x156: {  	s10 =	simm.s32 $0xA80  }
0x157: {  	[spmem:s2] =	stream.indirect.scatter.add.f32 [tilespmem:s8], [sflag:$0x1], $0x1, s10, s7, $0xb8;
	[tilespmem:$0x1700] =	vst v63  }
0x158: {  	_ = 	snop  }
0x159: {  	[spmem:s2] =	stream.indirect.scatter.add.f32 [tilespmem:s8], [sflag:$0x1], $0x1, s11, s7, $0xb8;
	[tilespmem:$0x1700] =	vst v63  }
0x15a: {  	_ = 	snop  }
0x15b: {  	[spmem:s2] =	stream.indirect.scatter.add.f32 [tilespmem:s8], [sflag:$0x1], $0x1, s12, s7, $0xb8;
	[tilespmem:$0x1700] =	vst v63  }
0x15c: {  	_ =	swait.ge [sflag:s9], $0x80  }
0x15d: {  	[sflag:s9] =	ssyncset.done $0x0  }
0x15e: {  	[sflag:s9] =	ssyncadd.s32 $0xFFFFFF80  }
0x15f: {  	_ =	swait.ge [sflag:s9], $0x80  }
0x160: {  	[sflag:s9] =	ssyncset.done $0x0  }
0x161: {  	[sflag:s9] =	ssyncadd.s32 $0xFFFFFF80  }
0x162: {  	_ =	swait.ge [sflag:s9], $0x80  }
0x163: {  	[sflag:s9] =	ssyncset.done $0x0  }
0x164: {  	[sflag:s9] =	ssyncadd.s32 $0xFFFFFF80  }
0x165: {  	_ =	swait.ge [sflag:s9], $0x80  }
0x166: {  	[sflag:s9] =	ssyncset.done $0x0  }
0x167: {  	[sflag:s9] =	ssyncadd.s32 $0xFFFFFF80  }
0x168: {  	_ =	swait.ge [sflag:s9], $0x80  }
0x169: {  	[sflag:s9] =	ssyncset.done $0x0  }
0x16a: {  	[sflag:s9] =	ssyncadd.s32 $0xFFFFFF80  }
0x16b: {  	_ =	swait.ge [sflag:s9], $0x80  }
0x16c: {  	[sflag:s9] =	ssyncset.done $0x0  }
0x16d: {  	[sflag:s9] =	ssyncadd.s32 $0xFFFFFF80  }
0x16e: {  	_ =	swait.ge [sflag:s9], $0x80  }
0x16f: {  	[sflag:s9] =	ssyncset.done $0x0  }
0x170: {  	[sflag:s9] =	ssyncadd.s32 $0xFFFFFF80  }
0x171: {  	_ =	swait.ge [sflag:s9], $0x80  }
0x172: {  	[sflag:s9] =	ssyncset.done $0x0  }
0x173: {  	[sflag:s9] =	ssyncadd.s32 $0xFFFFFF80  }
0x174: {  	[spmem:s2] =	stream.indirect.scatter.add.f32 [tilespmem:s8], [sflag:$0x1], $0x1, s13, s7, $0xb8;
	[tilespmem:$0x1700] =	vst v63  }
0x175: {  	_ = 	snop  }
0x176: {  	[spmem:s2] =	stream.indirect.scatter.add.f32 [tilespmem:s8], [sflag:$0x1], $0x1, s14, s7, $0xb8;
	[tilespmem:$0x1700] =	vst v63  }
0x177: {  	_ = 	snop  }
0x178: {  	[spmem:s2] =	stream.indirect.scatter.add.f32 [tilespmem:s8], [sflag:$0x1], $0x1, s15, s7, $0xb8;
	[tilespmem:$0x1700] =	vst v63  }
0x179: {  	_ = 	snop  }
0x17a: {  	[spmem:s2] =	stream.indirect.scatter.add.f32 [tilespmem:s8], [sflag:$0x1], $0x1, s16, s7, $0xb8;
	[tilespmem:$0x1700] =	vst v63  }
0x17b: {  	_ = 	snop  }
0x17c: {  	[spmem:s2] =	stream.indirect.scatter.add.f32 [tilespmem:s8], [sflag:$0x1], $0x1, s17, s7, $0xb8;
	[tilespmem:$0x1700] =	vst v63  }
0x17d: {  	_ = 	snop  }
0x17e: {  	[spmem:s2] =	stream.indirect.scatter.add.f32 [tilespmem:s8], [sflag:$0x1], $0x1, s18, s7, $0xb8;
	[tilespmem:$0x1700] =	vst v63  }
0x17f: {  	_ = 	snop  }
0x180: {  	[spmem:s2] =	stream.indirect.scatter.add.f32 [tilespmem:s8], [sflag:$0x1], $0x1, s19, s7, $0xb8;
	[tilespmem:$0x1700] =	vst v63  }
0x181: {  	_ = 	snop  }
0x182: {  	[spmem:s2] =	stream.indirect.scatter.add.f32 [tilespmem:s8], [sflag:$0x1], $0x1, s20, s7, $0xb8;
	[tilespmem:$0x1700] =	vst v63  }
0x183: {  	_ =	swait.ge [sflag:s9], $0x80  }
0x184: {  	[sflag:s9] =	ssyncset.done $0x0  }
0x185: {  	[sflag:s9] =	ssyncadd.s32 $0xFFFFFF80  }
0x186: {  	_ =	swait.ge [sflag:s9], $0x80  }
0x187: {  	[sflag:s9] =	ssyncset.done $0x0  }
0x188: {  	[sflag:s9] =	ssyncadd.s32 $0xFFFFFF80  }
0x189: {  	_ =	swait.ge [sflag:s9], $0x80  }
0x18a: {  	[sflag:s9] =	ssyncset.done $0x0  }
0x18b: {  	[sflag:s9] =	ssyncadd.s32 $0xFFFFFF80  }
0x18c: {  	_ =	swait.ge [sflag:s9], $0x80  }
0x18d: {  	[sflag:s9] =	ssyncset.done $0x0  }
0x18e: {  	[sflag:s9] =	ssyncadd.s32 $0xFFFFFF80  }
0x18f: {  	_ =	swait.ge [sflag:s9], $0x80  }
0x190: {  	[sflag:s9] =	ssyncset.done $0x0  }
0x191: {  	[sflag:s9] =	ssyncadd.s32 $0xFFFFFF80  }
0x192: {  	_ =	swait.ge [sflag:s9], $0x80  }
0x193: {  	[sflag:s9] =	ssyncset.done $0x0  }
0x194: {  	[sflag:s9] =	ssyncadd.s32 $0xFFFFFF80  }
0x195: {  	_ =	swait.ge [sflag:s9], $0x80  }
0x196: {  	[sflag:s9] =	ssyncset.done $0x0  }
0x197: {  	[sflag:s9] =	ssyncadd.s32 $0xFFFFFF80  }
0x198: {  	_ =	swait.ge [sflag:s9], $0x80  }
0x199: {  	[sflag:s9] =	ssyncset.done $0x0  }
0x19a: {  	[sflag:s9] =	ssyncadd.s32 $0xFFFFFF80  }
0x19b: {  	[spmem:s2] =	stream.indirect.scatter.add.f32 [tilespmem:s8], [sflag:$0x1], $0x1, s21, s7, $0xb8;
	[tilespmem:$0x1700] =	vst v63  }
0x19c: {  	_ = 	snop  }
0x19d: {  	[spmem:s2] =	stream.indirect.scatter.add.f32 [tilespmem:s8], [sflag:$0x1], $0x1, s22, s7, $0xb8;
	[tilespmem:$0x1700] =	vst v63  }
0x19e: {  	_ = 	snop  }
0x19f: {  	[spmem:s2] =	stream.indirect.scatter.add.f32 [tilespmem:s8], [sflag:$0x1], $0x1, s23, s7, $0xb8;
	[tilespmem:$0x1700] =	vst v63  }
0x1a0: {  	_ = 	snop  }
0x1a1: {  	[spmem:s2] =	stream.indirect.scatter.add.f32 [tilespmem:s8], [sflag:$0x1], $0x1, s24, s7, $0xb8;
	[tilespmem:$0x1700] =	vst v63  }
0x1a2: {  	_ = 	snop  }
0x1a3: {  	[spmem:s2] =	stream.indirect.scatter.add.f32 [tilespmem:s8], [sflag:$0x1], $0x1, s25, s7, $0xb8;
	[tilespmem:$0x1700] =	vst v63  }
0x1a4: {  	_ = 	snop  }
0x1a5: {  	[spmem:s2] =	stream.indirect.scatter.add.f32 [tilespmem:s8], [sflag:$0x1], $0x1, s26, s7, $0xb8;
	[tilespmem:$0x1700] =	vst v63  }
0x1a6: {  	_ = 	snop  }
0x1a7: {  	[spmem:s2] =	stream.indirect.scatter.add.f32 [tilespmem:s8], [sflag:$0x1], $0x1, s28, s7, $0xb8;
	[tilespmem:$0x1700] =	vst v63  }
0x1a8: {  	_ = 	snop  }
0x1a9: {  	[spmem:s2] =	stream.indirect.scatter.add.f32 [tilespmem:s8], [sflag:$0x1], $0x1, s29, s7, $0xb8;
	[tilespmem:$0x1700] =	vst v63  }
0x1aa: {  	_ =	swait.ge [sflag:s9], $0x80  }
0x1ab: {  	[sflag:s9] =	ssyncset.done $0x0  }
0x1ac: {  	[sflag:s9] =	ssyncadd.s32 $0xFFFFFF80  }
0x1ad: {  	_ =	swait.ge [sflag:s9], $0x80  }
0x1ae: {  	[sflag:s9] =	ssyncset.done $0x0  }
0x1af: {  	[sflag:s9] =	ssyncadd.s32 $0xFFFFFF80  }
0x1b0: {  	_ =	swait.ge [sflag:s9], $0x80  }
0x1b1: {  	[sflag:s9] =	ssyncset.done $0x0  }
0x1b2: {  	[sflag:s9] =	ssyncadd.s32 $0xFFFFFF80  }
0x1b3: {  	_ =	swait.ge [sflag:s9], $0x80  }
0x1b4: {  	[sflag:s9] =	ssyncset.done $0x0  }
0x1b5: {  	[sflag:s9] =	ssyncadd.s32 $0xFFFFFF80  }
0x1b6: {  	_ =	swait.ge [sflag:s9], $0x80  }
0x1b7: {  	[sflag:s9] =	ssyncset.done $0x0  }
0x1b8: {  	[sflag:s9] =	ssyncadd.s32 $0xFFFFFF80  }
0x1b9: {  	_ =	swait.ge [sflag:s9], $0x80  }
0x1ba: {  	[sflag:s9] =	ssyncset.done $0x0  }
0x1bb: {  	[sflag:s9] =	ssyncadd.s32 $0xFFFFFF80  }
0x1bc: {  	_ =	swait.ge [sflag:s9], $0x80  }
0x1bd: {  	[sflag:s9] =	ssyncset.done $0x0  }
0x1be: {  	[sflag:s9] =	ssyncadd.s32 $0xFFFFFF80  }
0x1bf: {  	_ =	swait.ge [sflag:s9], $0x80  }
0x1c0: {  	[sflag:s9] =	ssyncset.done $0x0  }
0x1c1: {  	p0 =	sne.s32 s0, $0x1;
	[sflag:s9] =	ssyncadd.s32 $0xFFFFFF80  }
.Ltmp1:
0x1c2: {  	[bflag:$0x0] =	sbarrier.arrive $0xFFFF;
	(pc) =	sbr.rel @p0 .LBB2_1-.Ltmp1, $4  }
0x1c3: {  	s10 =	rddreg [dreg:$0x6]  }
0x1c4: {  	[hbm:s10@s30], [sflag:s5] =	dma.strided [spmem:s6@s31], $0x50, s9, $0x10   }
0x1c5: {  	_ =	swait.ge [sflag:s4], $0x50  }
0x1c6: {  	s0 =	sadd.s32 $0xFFFFFFFF, s0;
	[sflag:s4] =	ssyncset.done $0x0  }
.LBB2_2:
0x1c7: {  	[sflag:s4] =	ssyncadd.s32 $0xFFFFFFB0  }
0x1c8: {  	_ =	sfence.sel $0x180000  }
0x1c9: {  	[bflag:$0x0] =	sbarrier.arrive $0xFFFF  }
0x1ca: {  	_ =	strace $0x90000047  }
0x1cb: {  	s0 =	stileid.u32;
	[bflag:$0x2] =	sbarrier.arrive $0xFFFF  }
0x1cc: {  	p0 =	sne.s32 s0, $0x0;
	s0 =	rddreg [dreg:$0x3]  }
0x1cd: {  	s0 =	sadd.s32 @!p0 $0x100000, s0  }
0x1ce: {  	[sflag:s0] =	ssyncadd.tile.s32 @!p0 $0x1;
	_ =	shalt  }
.Lfunc_end2:
_tile_overlayer_lowered:
.L_overlay_start_2:
0x1cf: {  	(tag) =	ssettag $0x2  }
0x1d0: {  	s0 =	rddreg [dreg:$0x0];
	s2 =	stileid.u32  }
0x1d1: {  	s1 =	rddreg [dreg:$0x1];
	p0 =	sne.s32 s2, $0x0  }
0x1d2: {  	s3 =	rddreg [dreg:$0x2];
	[bflag:$0x3] =	sbarrier.arrive $0xFFFF;
	s2 =	simm.s32 @!p0 $0x1C02  }
0x1d3: {  	[timem:s3], [sflag:s2] =	dma.local @!p0 [hbm:s0], s1  }
0x1d4: {  	s0 =	simm.s32 @!p0 $0x2  }
0x1d5: {  	_ =	swait.ge @!p0 [sflag:s0], s1  }
0x1d6: {  	s1 =	ssub.s32 @!p0 $0x0, s1;
	[sflag:s0] =	ssyncset.done @!p0 $0x0  }
0x1d7: {  	[sflag:s0] =	ssyncadd.s32 @!p0 s1  }
0x1d8: {  	[bflag:$0x3] =	sbarrier.arrive $0xFFFF  }
0x1d9: {  	_ =	shalt  }

// kernel: kernel.9.cloned.1.call-start
scs
__scs_entry_jumppad:
0x0: {  	(pc) =	sbr.rel $0x88, $3  }
0x1: {  	(tag) =	ssettag $0x0;
	lr =	simm.s32 $0x1  }
0x2: {  	[smem:$0x3F9D] =	sst lr;
	_ =	strace $0xD0000000  }
0x3: {  	_ = 	snop  }
0x4: {  	_ = 	snop  }
0x5: {  	_ = 	snop  }
0x6: {  	_ = 	snop  }
0x7: {  	_ = 	snop  }
__scs_overlays_trampoline_lowered:
0x8: {  	[smem:$0x3FAC] =	sst s0  }
0x9: {  	[smem:$0x3FAD] =	sst s1  }
0xa: {  	[smem:$0x3FAE] =	sst s2  }
0xb: {  	[smem:$0x3FAF] =	sst s3  }
0xc: {  	[smem:$0x3FB0] =	sst s4  }
0xd: {  	[smem:$0x3FB1] =	sst s5  }
0xe: {  	[smem:$0x3FB2] =	sst s6  }
0xf: {  	[smem:$0x3FB3] =	sst s7  }
0x10: {  	[smem:$0x3FB4] =	sst s8  }
0x11: {  	[smem:$0x3FB5] =	sst s9;
	s0 =	simm.s32 @!p0 $0x0  }
0x12: {  	s1 =	sld [smem:$0x3F9B];
	s0 =	simm.s32 @p0 $0x1  }
0x13: {  	[smem:$0x3FB6] =	sst s0;
	s0 =	simm.s32 @!p1 $0x0  }
0x14: {  	s2 =	sld [smem:$0x3F9A];
	s0 =	simm.s32 @p1 $0x1  }
0x15: {  	[smem:$0x3FB7] =	sst s0;
	s0 =	simm.s32 @!p2 $0x0  }
0x16: {  	s3 =	sld [smem:$0x3FDB];
	s0 =	simm.s32 @p2 $0x1  }
0x17: {  	s4 =	simm.s32 $0x1BF5;
	[smem:$0x3FB9] =	sst s0  }
0x18: {  	s0 =	sld [smem:$0x3F9C];
	_ =	swait.ge [sflag:s4], $0x0  }
0x19: {  	s7 =	sld [smem:$0x3F9D]  }
0x1a: {  	s8 =	sadd.s32 $0xFFFFE003, lr  }
0x1b: {  	s9 =	sadd.s32 $0xFFFFFEF7, lr;
	s5 =	simm.s32 $0xFFFFFFFF;
	p2 =	slt.u32 s8, $0xFFFFF086  }
0x1c: {  	p1 =	slt.u32 s9, $0xF7A;
	s5 =	simm.s32 @!p2 $0x0  }
0x1d: {  	s5 =	simm.s32 @p1 $0x1;
	p0 =	seq.s32 s7, s2  }
0x1e: {  	s7 =	smul.u32 @!p0 $0xF7A, s2;
	p2 =	seq.s32 @!p0 s5, $0x0  }
0x1f: {  	s9 =	smul.u32 $0xF7A, s1;
	s8 =	simm.s32 @!p0 $0x1BF5;
	p2 =	por !p2, p0  }
0x20: {  	[sflag:s8] =	ssyncset.s32 @!p0 $0xFFFFF086;
	s6 =	sadd.s32 @!p0 s3, s7;
	s7 =	simm.s32 @!p0 $0x108  }
0x21: {  	s3 =	sadd.s32 s3, s9;
	s6 =	sadd.s32 @!p0 $0x88, s6;
	s7 =	simm.s32 @p2 $0x1082  }
0x22: {  	[simem:s7], [sflag:s8] =	dma.local @!p0 [hbm:s6], $0xF7A  }
0x23: {  	s9 =	sor.u32 $0xD0000000, s2;
	s6 =	simm.s32 $0x108;
	_ =	swait.ge @!p0 [sflag:s8], $0x0  }
0x24: {  	s3 =	sadd.s32 $0x88, s3;
	s6 =	simm.s32 @!p1 $0x1082;
	[sflag:s4] =	ssyncset.s32 $0xFFFFF086  }
0x25: {  	[simem:s6], [sflag:s4] =	dma.local [hbm:s3], $0xF7A  }
0x26: {  	[smem:$0x3F9D] =	sst s1;
	(tag) =	ssettag s2;
	_ =	strace s9  }
0x27: {  	s1 =	sld [smem:$0x3FAD]  }
0x28: {  	s2 =	sld [smem:$0x3FAE]  }
0x29: {  	s4 =	sld [smem:$0x3FB0]  }
0x2a: {  	p0 =	seq.s32 s5, $0x0;
	s5 =	sld [smem:$0x3FB1]  }
0x2b: {  	s6 =	sld [smem:$0x3FB2]  }
0x2c: {  	s7 =	sld [smem:$0x3FB3]  }
0x2d: {  	s3 =	simm.s32 $0x108;
	s8 =	sld [smem:$0x3FB4]  }
0x2e: {  	s3 =	simm.s32 @!p0 $0x1082;
	s9 =	sld [smem:$0x3FB5]  }
0x2f: {  	lr =	sadd.s32 s0, s3;
	s0 =	sld [smem:$0x3FAC]  }
0x30: {  	s3 =	sld [smem:$0x3FAF]  }
0x31: {  	[smem:$0x3FB8] =	sst s10  }
0x32: {  	s10 =	sld [smem:$0x3FB6];
	_ =	sdelay $0x3  }
0x33: {  	p0 =	seq.s32 s10, $0x1;
	s10 =	sld [smem:$0x3FB8];
	_ =	sdelay $0x3  }
0x34: {  	[smem:$0x3FB8] =	sst s10  }
0x35: {  	s10 =	sld [smem:$0x3FB7];
	_ =	sdelay $0x3  }
0x36: {  	p1 =	seq.s32 s10, $0x1;
	s10 =	sld [smem:$0x3FB8];
	_ =	sdelay $0x3  }
0x37: {  	[smem:$0x3FB8] =	sst s10  }
0x38: {  	s10 =	sld [smem:$0x3FB9]  }
0x39: {  	_ = 	snop;
	(pc) =	sbr.ind lr, $3  }
0x3a: {  	_ = 	snop  }
0x3b: {  	_ = 	snop  }
0x3c: {  	p2 =	seq.s32 s10, $0x1;
	s10 =	sld [smem:$0x3FB8]  }
0x3d: {  	_ =	shalt  }
0x3e: {  	_ =	shalt  }
0x3f: {  	_ =	shalt  }
0x40: {  	_ =	shalt  }
0x41: {  	_ =	shalt  }
0x42: {  	_ =	shalt  }
0x43: {  	_ =	shalt  }
0x44: {  	_ =	shalt  }
0x45: {  	_ =	shalt  }
0x46: {  	_ =	shalt  }
0x47: {  	_ =	shalt  }
0x48: {  	_ =	shalt  }
0x49: {  	_ =	shalt  }
0x4a: {  	_ =	shalt  }
0x4b: {  	_ =	shalt  }
0x4c: {  	_ =	shalt  }
0x4d: {  	_ =	shalt  }
0x4e: {  	_ =	shalt  }
0x4f: {  	_ =	shalt  }
0x50: {  	_ =	shalt  }
0x51: {  	_ =	shalt  }
0x52: {  	_ =	shalt  }
0x53: {  	_ =	shalt  }
0x54: {  	_ =	shalt  }
0x55: {  	_ =	shalt  }
0x56: {  	_ =	shalt  }
0x57: {  	_ =	shalt  }
0x58: {  	_ =	shalt  }
0x59: {  	_ =	shalt  }
0x5a: {  	_ =	shalt  }
0x5b: {  	_ =	shalt  }
0x5c: {  	_ =	shalt  }
0x5d: {  	_ =	shalt  }
0x5e: {  	_ =	shalt  }
0x5f: {  	_ =	shalt  }
0x60: {  	_ =	shalt  }
0x61: {  	_ =	shalt  }
0x62: {  	_ =	shalt  }
0x63: {  	_ =	shalt  }
0x64: {  	_ =	shalt  }
0x65: {  	_ =	shalt  }
0x66: {  	_ =	shalt  }
0x67: {  	_ =	shalt  }
0x68: {  	_ =	shalt  }
0x69: {  	_ =	shalt  }
0x6a: {  	_ =	shalt  }
0x6b: {  	_ =	shalt  }
0x6c: {  	_ =	shalt  }
0x6d: {  	_ =	shalt  }
0x6e: {  	_ =	shalt  }
0x6f: {  	_ =	shalt  }
0x70: {  	_ =	shalt  }
0x71: {  	_ =	shalt  }
0x72: {  	_ =	shalt  }
0x73: {  	_ =	shalt  }
0x74: {  	_ =	shalt  }
0x75: {  	_ =	shalt  }
0x76: {  	_ =	shalt  }
0x77: {  	_ =	shalt  }
0x78: {  	_ =	shalt  }
0x79: {  	_ =	shalt  }
0x7a: {  	_ =	shalt  }
0x7b: {  	_ =	shalt  }
0x7c: {  	_ =	shalt  }
0x7d: {  	_ =	shalt  }
0x7e: {  	_ =	shalt  }
0x7f: {  	_ =	shalt  }
0x80: {  	_ =	shalt  }
0x81: {  	_ =	shalt  }
0x82: {  	_ =	shalt  }
0x83: {  	_ =	shalt  }
0x84: {  	_ =	shalt  }
0x85: {  	_ =	shalt  }
0x86: {  	_ =	shalt  }
0x87: {  	_ =	shalt  }
.Lfunc_end0:
.L_simem_size_0:
called_computation.1_lowered:
.L_overlay_start_0:
0x88: {  	s2 =	sld [smem:$0x3FD9]  }
0x89: {  	s3 =	sld [smem:$0x3FFE];
	_ =	sdelay $0x1  }
0x8a: {  	s1 =	srdreg.scid  }
0x8b: {  	s0 =	sand.u32 $0x1, s1  }
0x8c: {  	s17 =	sshll.u32 s0, $0xA;
	s2 =	sadd.s32 s3, s2  }
0x8d: {  	s2 =	sadd.s32 s2, s17  }
0x8e: {  	[smem:$0x3FC4] =	sst s2  }
0x8f: {  	_ = 	snop  }
0x90: {  	s2 =	sld [smem:$0x3FD0];
	(tm) =	ssettm $0x1  }
0x91: {  	s18 =	sld [smem:$0x3FFB];
	_ =	sdelay $0x3  }
0x92: {  	_ =	strace s18  }
0x93: {  	s3 =	sld [smem:$0x3FFC];
	_ =	sdelay $0x3  }
0x94: {  	_ =	strace s3  }
0x95: {  	s3 =	sld [smem:$0x3FFD];
	_ =	sdelay $0x3  }
0x96: {  	_ =	strace s3  }
0x97: {  	_ =	strace $0x8FFFFFFF  }
0x98: {  	s19 =	sld [smem:$0x3FDB];
	_ =	sdelay $0x1  }
0x99: {  	s4 =	simm.s32 $_scs_section_size  }
0x9a: {  	s5 =	simm.s32 $_size__tile_overlayer_lowered;
	s6 =	simm.s32 $_tile_overlayer_lowered  }
0x9b: {  	s22 =	simm.s32 $0x1BFF;
	s21 =	sshll.u32 s6, $0x1;
	s3 =	sadd.s32 s4, s19  }
0x9c: {  	s7 =	simm.s32 $0x0;
	s20 =	sshll.u32 s5, $0x1;
	s5 =	sadd.s32 s21, s3  }
0x9d: {  	[timem:s7], [sflag:s22] =	dma.local [hbm:s5], s20  }
0x9e: {  	_ =	swait.ge [sflag:s22], s20  }
0x9f: {  	s4 =	ssub.s32 $0x0, s20;
	[sflag:s22] =	ssyncset.done $0x0  }
0xa0: {  	[sflag:s22] =	ssyncadd.s32 s4;
	_ =	sdelay $0x1  }
0xa1: {  	s23 =	simm.s32 $0x1B8B  }
0xa2: {  	_ =	swait.ge [sflag:s23], $0x1  }
0xa3: {  	[sflag:s23] =	ssyncset.done $0x0  }
0xa4: {  	s25 =	simm.s32 $0x1B8E;
	s24 =	sld [smem:$0x3FFE];
	[sflag:s23] =	ssyncadd.s32 $0xFFFFFFFF  }
0xa5: {  	s26 =	simm.s32 $execute0_lowered;
	[smem:$0x3FD2] =	sst s25  }
0xa6: {  	s5 =	sshll.u32 s26, $0x1;
	_ =	strace $0x80000049;
	[dreg:$0x1] =	wrdreg $0xFFFFFFFF  }
0xa7: {  	s28 =	simm.s32 $_size_execute0_lowered;
	s3 =	sadd.s32 s3, s5;
	[dreg:$0x0] =	wrdreg $0x0  }
0xa8: {  	s5 =	sshll.u32 s28, $0x1;
	[dreg:$0x2] =	wrdreg s3  }
0xa9: {  	[dreg:$0x3] =	wrdreg s5  }
0xaa: {  	[dreg:$0x4] =	wrdreg $0xC0  }
0xab: {  	_ =	task [dreg:s7], $0x5FFFF  }
0xac: {  	[dreg:$0x1] =	wrdreg $0xFFFFFFFF  }
0xad: {  	[dreg:$0x0] =	wrdreg $0x60  }
0xae: {  	[dreg:$0x2] =	wrdreg s24  }
0xaf: {  	[dreg:$0x3] =	wrdreg s2  }
0xb0: {  	[dreg:$0x4] =	wrdreg $0x84000  }
0xb1: {  	[dreg:$0x5] =	wrdreg $0x9  }
0xb2: {  	_ =	task.clear_ibuf [dreg:s7], $0x6FFFF;
	_ =	strace $0x90000049  }
0xb3: {  	s29 =	simm.s32 $0x9;
	_ =	strace $0x8000004B  }
0xb4: {  	_ =	swait.ge [sflag:s29], $0x1  }
0xb5: {  	[sflag:s29] =	ssyncadd.s32 $0xFFFFFFFF  }
0xb6: {  	_ =	strace $0x9000004B  }
0xb7: {  	_ =	sfence  }
0xb8: {  	s30 =	sld [smem:$0x0];
	_ =	sdelay $0x2  }
0xb9: {  	s31 =	sshll.u32 s1, $0xD;
	s1 =	sshrl.u32 s1, $0x2  }
0xba: {  	s3 =	sand.u32 $0x4000, s31;
	s1 =	sadd.s32 s1, s30  }
0xbb: {  	s0 =	sor.u32 s3, s0;
	s1 =	sshll.u32 s1, $0x11  }
0xbc: {  	s0 =	sor.u32 s1, s0  }
0xbd: {  	s0 =	sadd.s32 $0x8F2B, s0  }
0xbe: {  	[sflag:s0] =	ssyncadd.remote.s32 $0x1  }
0xbf: {  	_ =	sfence.sel $0xFFFF  }
0xc0: {  	[dreg:$0x0] =	wrdreg $0xFFFFFFFF;
	(pc) =	sbr.abs _section_cstart, $3  }
0xc1: {  	[dreg:$0x1] =	wrdreg $0xFFFFFFFF  }
0xc2: {  	_ =	task.clear_ibuf [dreg:s7], $0x2FFFF;
	_ =	strace $0x9FFFFFFF  }
0xc3: {  	(tm) =	ssettm $0x7FFFFFFF  }
tec
execute0_lowered:
.L_overlay_start_1:
0x0: {  	(tag) =	ssettag $0x1  }
0x1: {  	s0 =	rddreg [dreg:$0x0]  }
0x2: {  	s3 =	rddreg [dreg:$0x1]  }
0x3: {  	s1 =	rddreg [dreg:$0x2]  }
0x4: {  	s2 =	simm.s32 $0x0;
	s6 =	srdreg.scid;
	s14 =	stileid.u32  }
0x5: {  	s28 =	simm.s32 $0x1;
	s29 =	simm.s32 $0x400;
	s30 =	simm.s32 $0x2  }
0x6: {  	s31 =	simm.s32 $0x4400;
	[smem:$0x7FF] =	sst s2;
	s8 =	sadd.s32 $0x32A00, s0  }
0x7: {  	s4 =	sadd.s32 $0xB800, s0;
	s5 =	sadd.s32 $0x1800, s0;
	s7 =	smul.u32 $0x500, s14  }
0x8: {  	s9 =	sand.u32 $0x1, s6;
	s6 =	sadd.s32 $0x6800, s0;
	s23 =	smul.u32 $0x50000, s14  }
0x9: {  	s11 =	sadd.s32 $0x59C00, s0;
	s0 =	sadd.s32 $0x81C00, s0;
	s14 =	smul.u32 $0x2800, s14  }
0xa: {  	_ =	strace $0x8000004A;
	s10 =	ssub.s32 $0x2, s9;
	p0 =	seq.s32 s9, $0x0  }
0xb: {  	s9 =	simm.s32 $0x6;
	s12 =	sshrl.u32 s10, $0x1;
	s18 =	sadd.s32 s5, s7  }
0xc: {  	s19 =	sor.u32 $0x10, s7;
	s13 =	sadd.s32 s6, s7;
	s21 =	sor.u32 $0x20, s7  }
0xd: {  	s24 =	sor.u32 $0x30, s7;
	s3 =	sadd.s32 s3, s14;
	[dreg:$0x4] =	wrdreg s18  }
0xe: {  	s4 =	smov.u32 @p0 s8;
	s0 =	smov.u32 @p0 s11;
	[dreg:$0x5] =	wrdreg s13  }
0xf: {  	s8 =	simm.s32 $0x3;
	s20 =	sadd.s32 s5, s19;
	[dreg:$0xd] =	wrdreg s3  }
0x10: {  	s10 =	ssub.s32 s10, s12;
	s12 =	sadd.s32 s6, s19;
	[dreg:$0x6] =	wrdreg s20  }
0x11: {  	s11 =	simm.s32 $0x0;
	s22 =	sadd.s32 s5, s21;
	[dreg:$0x7] =	wrdreg s12  }
0x12: {  	s13 =	sadd.s32 s6, s21;
	s15 =	sadd.s32 s5, s24;
	[dreg:$0x8] =	wrdreg s22  }
0x13: {  	s19 =	sadd.s32 s0, s14;
	s21 =	simm.s32 $0x80;
	[dreg:$0x9] =	wrdreg s13  }
0x14: {  	s0 =	simm.s32 $0x7;
	s3 =	simm.s32 $0x5;
	[dreg:$0xa] =	wrdreg s15  }
.Ltmp0:
0x15: {  	s13 =	sadd.s32 s6, s24;
	s12 =	sshrl.u32 s23, $0x2;
	(pc) =	sbr.rel .LBB2_1-.Ltmp0, $4  }
0x16: {  	s26 =	smax.u32 s10, $0x1;
	s20 =	simm.s32 $0x200;
	s22 =	simm.s32 $0x280  }
0x17: {  	s23 =	simm.s32 $0x100;
	s24 =	simm.s32 $0x300;
	[dreg:$0xb] =	wrdreg s13  }
0x18: {  	s10 =	simm.s32 $0x4;
	s25 =	sadd.s32 s12, s1;
	[dreg:$0xe] =	wrdreg s26  }
0x19: {  	s26 =	simm.s32 $0x380;
	[dreg:$0xc] =	wrdreg s25;
	s25 =	simm.s32 $0x180  }
.LBB2_4:
0x1a: {  	_ =	swait.ge [sflag:s9], $0x4000  }
0x1b: {  	[sflag:s9] =	ssyncset.done $0x0  }
0x1c: {  	[sflag:s9] =	ssyncadd.s32 $0xFFFFC000  }
0x1d: {  	[spmem:s1] =	stream.indirect.scatter.add.f32 [tilespmem:s31], [sflag:$0x7], $0x80, s26, s21, $0xb8;
	[tilespmem:$0x1C400] =	vst v63  }
0x1e: {  	_ =	swait.ge [sflag:s0], $0x4000  }
0x1f: {  	[sflag:s0] =	ssyncset.done $0x0  }
0x20: {  	[sflag:s0] =	ssyncadd.s32 $0xFFFFC000  }
0x21: {  	[bflag:$0x0] =	sbarrier.arrive $0xFFFF  }
0x22: {  	[hbm:s19], [sflag:s12] =	dma.local [spmem:s13], $0x2800  }
0x23: {  	_ =	swait.ge [sflag:s0], $0x2800  }
0x24: {  	s11 =	sadd.s32 $0x1, s11;
	s18 =	rddreg [dreg:$0xe]  }
0x25: {  	p0 =	sne.s32 s11, s18  }
.Ltmp1:
0x26: {  	_ = 	snop;
	(pc) =	sbr.rel @!p0 .LBB2_5-.Ltmp1, $3  }
0x27: {  	_ =	sdelay $0x1  }
0x28: {  	[sflag:s0] =	ssyncset.done $0x0  }
0x29: {  	[sflag:s0] =	ssyncadd.s32 $0xFFFFD800  }
.LBB2_1:
0x2a: {  	s12 =	rddreg [dreg:$0x4]  }
0x2b: {  	[tilespmem:s2], [sflag:$0x1] =	stream.linear.gather [hbm4b:s12+s2], $0x80, $0x38;
	[tilespmem:$0x1C400] =	vst v63  }
0x2c: {  	s17 =	rddreg [dreg:$0x5]  }
0x2d: {  	[tilespmem:s20], [sflag:$0x1] =	stream.linear.gather [hbm4b:s17+s2], $0x80, $0x38;
	[tilespmem:$0x1C400] =	vst v63  }
0x2e: {  	s18 =	rddreg [dreg:$0x6]  }
0x2f: {  	[tilespmem:s21], [sflag:$0x2] =	stream.linear.gather [hbm4b:s18+s2], $0x80, $0x38;
	[tilespmem:$0x1C400] =	vst v63  }
0x30: {  	s13 =	rddreg [dreg:$0x7]  }
0x31: {  	[tilespmem:s22], [sflag:$0x2] =	stream.linear.gather [hbm4b:s13+s2], $0x80, $0x38;
	[tilespmem:$0x1C400] =	vst v63  }
0x32: {  	s14 =	rddreg [dreg:$0x8]  }
0x33: {  	[tilespmem:s23], [sflag:$0x3] =	stream.linear.gather [hbm4b:s14+s2], $0x80, $0x38;
	[tilespmem:$0x1C400] =	vst v63  }
0x34: {  	s15 =	rddreg [dreg:$0x9]  }
0x35: {  	[tilespmem:s24], [sflag:$0x3] =	stream.linear.gather [hbm4b:s15+s2], $0x80, $0x38;
	[tilespmem:$0x1C400] =	vst v63  }
0x36: {  	s16 =	rddreg [dreg:$0xa]  }
0x37: {  	[tilespmem:s25], [sflag:$0x4] =	stream.linear.gather [hbm4b:s16+s2], $0x80, $0x38;
	[tilespmem:$0x1C400] =	vst v63  }
0x38: {  	s17 =	rddreg [dreg:$0xb]  }
0x39: {  	[tilespmem:s26], [sflag:$0x4] =	stream.linear.gather [hbm4b:s17+s2], $0x80, $0x38;
	[tilespmem:$0x1C400] =	vst v63  }
0x3a: {  	_ =	swait.ge [sflag:s28], $0x80  }
0x3b: {  	[sflag:s28] =	ssyncset.done $0x0  }
0x3c: {  	[sflag:s28] =	ssyncadd.s32 $0xFFFFFF80  }
0x3d: {  	_ =	swait.ge [sflag:s28], $0x80  }
0x3e: {  	[sflag:s28] =	ssyncset.done $0x0  }
0x3f: {  	[sflag:s28] =	ssyncadd.s32 $0xFFFFFF80  }
0x40: {  	[tilespmem:s29], [sflag:$0x5] =	stream.indirect.gather [hbm4b:s4+s21], $0x80, s2, s21, $0xb8;
	[tilespmem:$0x1C400] =	vst v63  }
0x41: {  	_ =	swait.ge [sflag:s30], $0x80  }
0x42: {  	[sflag:s30] =	ssyncset.done $0x0  }
0x43: {  	s18 =	stileid.u32;
	[sflag:s30] =	ssyncadd.s32 $0xFFFFFF80  }
0x44: {  	s12 =	sshll.u32 s18, $0x6;
	_ =	swait.ge [sflag:s30], $0x80  }
0x45: {  	s12 =	sor.u32 $0x1C07, s12;
	[sflag:s30] =	ssyncset.done $0x0;
	s13 =	rddreg [dreg:$0xc]  }
0x46: {  	s14 =	rddreg [dreg:$0xd];
	[sflag:s30] =	ssyncadd.s32 $0xFFFFFF80;
	s13 =	sshrl.u32 s13, $0x3  }
0x47: {  	[tilespmem:s31], [sflag:$0x6] =	stream.indirect.gather [hbm4b:s4+s21], $0x80, s21, s21, $0xb8;
	[tilespmem:$0x1C400] =	vst v63  }
0x48: {  	[spmem:s13], [sflag:s12] =	dma.local [hbm:s14], $0x2800  }
0x49: {  	_ =	swait.ge [sflag:s0], $0x2800  }
0x4a: {  	[sflag:s0] =	ssyncset.done $0x0  }
0x4b: {  	[sflag:s0] =	ssyncadd.s32 $0xFFFFD800  }
0x4c: {  	s14 =	simm.s32 $0x0;
	[bflag:$0x0] =	sbarrier.arrive $0xFFFF  }
.LBB2_2:
0x4d: {  	_ =	swait.ge [sflag:s3], $0x4000;
	p0 =	seq.s32 s14, $0x4C0  }
0x4e: {  	[sflag:s3] =	ssyncset.done $0x0;
	s15 =	sadd.s32 @!p0 s14, s7  }
0x4f: {  	s16 =	sxor.u32 @!p0 $0xFFFFFFFF, s14;
	[sflag:s3] =	ssyncadd.s32 $0xFFFFC000;
	s15 =	sadd.s32 @!p0 $0x40, s15  }
0x50: {  	[spmem:s1] =	stream.indirect.scatter.add.f32 [tilespmem:s29], [sflag:$0x7], $0x80, s20, s21, $0xb8;
	[tilespmem:$0x1C400] =	vst v63  }
0x51: {  	s16 =	sand.u32 @!p0 $0x40, s16;
	s15 =	sand.u32 @!p0 $0xFF80, s15;
	_ =	swait.ge [sflag:s0], $0x4000  }
0x52: {  	s15 =	sor.u32 @!p0 s16, s15;
	[sflag:s0] =	ssyncset.done $0x0  }
0x53: {  	s17 =	simm.s32 @!p0 $0x0;
	s16 =	sadd.s32 @!p0 s5, s15;
	[sflag:s0] =	ssyncadd.s32 $0xFFFFC000  }
0x54: {  	[tilespmem:s17], [sflag:$0x1] =	stream.linear.gather @!p0 [hbm4b:s16+s17], $0x80, $0x38;
	[tilespmem:$0x1C400] =	vst v63  }
0x55: {  	s15 =	sadd.s32 @!p0 s6, s15;
	s16 =	simm.s32 @!p0 $0x200  }
0x56: {  	[tilespmem:s16], [sflag:$0x1] =	stream.linear.gather @!p0 [hbm4b:s15+s17], $0x80, $0x38;
	[tilespmem:$0x1C400] =	vst v63  }
0x57: {  	_ =	swait.ge [sflag:s8], $0x80  }
0x58: {  	[sflag:s8] =	ssyncset.done $0x0  }
0x59: {  	[sflag:s8] =	ssyncadd.s32 $0xFFFFFF80  }
0x5a: {  	_ =	swait.ge [sflag:s8], $0x80  }
0x5b: {  	[sflag:s8] =	ssyncset.done $0x0  }
0x5c: {  	[sflag:s8] =	ssyncadd.s32 $0xFFFFFF80  }
0x5d: {  	[tilespmem:s29], [sflag:$0x5] =	stream.indirect.gather [hbm4b:s4+s21], $0x80, s23, s21, $0xb8;
	[tilespmem:$0x1C400] =	vst v63  }
0x5e: {  	_ =	swait.ge [sflag:s9], $0x4000  }
0x5f: {  	s15 =	sadd.s32 @!p0 $0x50, s14;
	[sflag:s9] =	ssyncset.done $0x0  }
0x60: {  	s16 =	sadd.s32 @!p0 s7, s15;
	[sflag:s9] =	ssyncadd.s32 $0xFFFFC000  }
0x61: {  	[spmem:s1] =	stream.indirect.scatter.add.f32 [tilespmem:s31], [sflag:$0x7], $0x80, s22, s21, $0xb8;
	[tilespmem:$0x1C400] =	vst v63  }
0x62: {  	s15 =	sand.u32 @!p0 $0x50, s15;
	s16 =	sand.u32 @!p0 $0xFF80, s16;
	_ =	swait.ge [sflag:s0], $0x4000  }
0x63: {  	s15 =	sor.u32 @!p0 s15, s16;
	[sflag:s0] =	ssyncset.done $0x0  }
0x64: {  	s18 =	simm.s32 @!p0 $0x80;
	s16 =	sadd.s32 @!p0 s5, s15;
	[sflag:s0] =	ssyncadd.s32 $0xFFFFC000  }
0x65: {  	[tilespmem:s18], [sflag:$0x2] =	stream.linear.gather @!p0 [hbm4b:s16+s17], $0x80, $0x38;
	[tilespmem:$0x1C400] =	vst v63  }
0x66: {  	s15 =	sadd.s32 @!p0 s6, s15;
	s16 =	simm.s32 @!p0 $0x280  }
0x67: {  	[tilespmem:s16], [sflag:$0x2] =	stream.linear.gather @!p0 [hbm4b:s15+s17], $0x80, $0x38;
	[tilespmem:$0x1C400] =	vst v63  }
0x68: {  	_ =	swait.ge [sflag:s10], $0x80  }
0x69: {  	[sflag:s10] =	ssyncset.done $0x0  }
0x6a: {  	[sflag:s10] =	ssyncadd.s32 $0xFFFFFF80  }
0x6b: {  	_ =	swait.ge [sflag:s10], $0x80  }
0x6c: {  	[sflag:s10] =	ssyncset.done $0x0  }
0x6d: {  	[sflag:s10] =	ssyncadd.s32 $0xFFFFFF80  }
0x6e: {  	[tilespmem:s31], [sflag:$0x6] =	stream.indirect.gather [hbm4b:s4+s21], $0x80, s25, s21, $0xb8;
	[tilespmem:$0x1C400] =	vst v63  }
0x6f: {  	_ =	swait.ge [sflag:s3], $0x4000  }
0x70: {  	[sflag:s3] =	ssyncset.done $0x0  }
.Ltmp2:
0x71: {  	[sflag:s3] =	ssyncadd.s32 $0xFFFFC000;
	(pc) =	sbr.rel @p0 .LBB2_4-.Ltmp2, $4  }
0x72: {  	[spmem:s1] =	stream.indirect.scatter.add.f32 [tilespmem:s29], [sflag:$0x7], $0x80, s24, s21, $0xb8;
	[tilespmem:$0x1C400] =	vst v63  }
0x73: {  	_ =	swait.ge [sflag:s0], $0x4000  }
0x74: {  	[sflag:s0] =	ssyncset.done $0x0  }
0x75: {  	[sflag:s0] =	ssyncadd.s32 $0xFFFFC000  }
0x76: {  	s15 =	sadd.s32 s14, s7  }
0x77: {  	s17 =	sadd.s32 $0x60, s14;
	s16 =	sadd.s32 $0x60, s15  }
0x78: {  	s17 =	sand.u32 $0x60, s17;
	s16 =	sand.u32 $0xFF80, s16  }
0x79: {  	s16 =	sor.u32 s17, s16  }
0x7a: {  	s17 =	sadd.s32 s5, s16  }
0x7b: {  	[tilespmem:s23], [sflag:$0x3] =	stream.linear.gather [hbm4b:s17+s2], $0x80, $0x38;
	[tilespmem:$0x1C400] =	vst v63  }
0x7c: {  	s16 =	sadd.s32 s6, s16  }
0x7d: {  	[tilespmem:s24], [sflag:$0x3] =	stream.linear.gather [hbm4b:s16+s2], $0x80, $0x38;
	[tilespmem:$0x1C400] =	vst v63  }
0x7e: {  	_ =	swait.ge [sflag:s28], $0x80  }
0x7f: {  	[sflag:s28] =	ssyncset.done $0x0  }
0x80: {  	[sflag:s28] =	ssyncadd.s32 $0xFFFFFF80  }
0x81: {  	_ =	swait.ge [sflag:s28], $0x80  }
0x82: {  	[sflag:s28] =	ssyncset.done $0x0  }
0x83: {  	[sflag:s28] =	ssyncadd.s32 $0xFFFFFF80  }
0x84: {  	[tilespmem:s29], [sflag:$0x5] =	stream.indirect.gather [hbm4b:s4+s21], $0x80, s2, s21, $0xb8;
	[tilespmem:$0x1C400] =	vst v63  }
0x85: {  	_ =	swait.ge [sflag:s9], $0x4000  }
0x86: {  	[sflag:s9] =	ssyncset.done $0x0  }
0x87: {  	s18 =	sadd.s32 $0x70, s14;
	s15 =	sadd.s32 $0x70, s15;
	[sflag:s9] =	ssyncadd.s32 $0xFFFFC000  }
0x88: {  	[spmem:s1] =	stream.indirect.scatter.add.f32 [tilespmem:s31], [sflag:$0x7], $0x80, s26, s21, $0xb8;
	[tilespmem:$0x1C400] =	vst v63  }
0x89: {  	s15 =	sand.u32 $0xFF80, s15;
	s16 =	sand.u32 $0x70, s18;
	_ =	swait.ge [sflag:s0], $0x4000  }
0x8a: {  	s15 =	sor.u32 s16, s15;
	[sflag:s0] =	ssyncset.done $0x0  }
0x8b: {  	s16 =	sadd.s32 s5, s15;
	[sflag:s0] =	ssyncadd.s32 $0xFFFFC000  }
0x8c: {  	[tilespmem:s25], [sflag:$0x4] =	stream.linear.gather [hbm4b:s16+s2], $0x80, $0x38;
	[tilespmem:$0x1C400] =	vst v63  }
0x8d: {  	s15 =	sadd.s32 s6, s15  }
0x8e: {  	[tilespmem:s26], [sflag:$0x4] =	stream.linear.gather [hbm4b:s15+s2], $0x80, $0x38;
	[tilespmem:$0x1C400] =	vst v63  }
0x8f: {  	_ =	swait.ge [sflag:s30], $0x80  }
0x90: {  	[sflag:s30] =	ssyncset.done $0x0  }
.Ltmp3:
0x91: {  	[sflag:s30] =	ssyncadd.s32 $0xFFFFFF80;
	(pc) =	sbr.rel .LBB2_2-.Ltmp3, $4  }
0x92: {  	_ =	swait.ge [sflag:s30], $0x80  }
0x93: {  	[sflag:s30] =	ssyncset.done $0x0  }
0x94: {  	s14 =	sadd.s32 $0x40, s14;
	[sflag:s30] =	ssyncadd.s32 $0xFFFFFF80  }
0x95: {  	[tilespmem:s31], [sflag:$0x6] =	stream.indirect.gather [hbm4b:s4+s21], $0x80, s21, s21, $0xb8;
	[tilespmem:$0x1C400] =	vst v63  }
.LBB2_5:
0x96: {  	_ =	sfence.sel $0x180000  }
0x97: {  	[bflag:$0x0] =	sbarrier.arrive $0xFFFF  }
0x98: {  	_ =	strace $0x9000004A  }
0x99: {  	s0 =	stileid.u32;
	[bflag:$0x2] =	sbarrier.arrive $0xFFFF  }
0x9a: {  	p0 =	sne.s32 s0, $0x0;
	s0 =	rddreg [dreg:$0x3]  }
0x9b: {  	s0 =	sadd.s32 @!p0 $0x100000, s0  }
0x9c: {  	[sflag:s0] =	ssyncadd.tile.s32 @!p0 $0x1;
	_ =	shalt  }
.Lfunc_end2:
_tile_overlayer_lowered:
.L_overlay_start_2:
0x9d: {  	(tag) =	ssettag $0x2  }
0x9e: {  	s0 =	rddreg [dreg:$0x0];
	s2 =	stileid.u32  }
0x9f: {  	s1 =	rddreg [dreg:$0x1];
	p0 =	sne.s32 s2, $0x0  }
0xa0: {  	s3 =	rddreg [dreg:$0x2];
	[bflag:$0x3] =	sbarrier.arrive $0xFFFF;
	s2 =	simm.s32 @!p0 $0x1C07  }
0xa1: {  	[timem:s3], [sflag:s2] =	dma.local @!p0 [hbm:s0], s1  }
0xa2: {  	s0 =	simm.s32 @!p0 $0x7  }
0xa3: {  	_ =	swait.ge @!p0 [sflag:s0], s1  }
0xa4: {  	s1 =	ssub.s32 @!p0 $0x0, s1;
	[sflag:s0] =	ssyncset.done @!p0 $0x0  }
0xa5: {  	[sflag:s0] =	ssyncadd.s32 @!p0 s1  }
0xa6: {  	[bflag:$0x3] =	sbarrier.arrive $0xFFFF  }
0xa7: {  	_ =	shalt  }

</sc_bundles>
